<compile_context>
chip_gen: v7x
topology: tpu7x:2x2x1
jax: 0.10.2.dev20260603
libtpu: 0.0.44.dev20260713+nightly
codegen_flags: <defaults>
</compile_context>

<pallas_src>
import functools

import jax
import jax.numpy as jnp
from jax import lax
from jax.experimental import pallas as pl
from jax.experimental.pallas import tpu as pltpu
from jax.experimental.pallas import tpu_sc as plsc

_NC = 2
_NS = 16
_NW = _NC * _NS
_L = 16

_IN = 256
_H1 = 8192
_H2 = 1024
_OUT = 1000

_SCR = 2048
_TCR = _H1 - _SCR
_R1 = _SCR // _NW
_CH1 = 32
_NCH1 = _R1 // _CH1

_BIG_F = 3.0e38
_BIG_I = 2**30


def _wid():
    return lax.axis_index("s") * _NC + lax.axis_index("c")


def _mesh():
    return plsc.VectorSubcoreMesh(core_axis_name="c", subcore_axis_name="s")


def _iota():
    return lax.iota(jnp.int32, _L)


@functools.partial(
    pl.kernel,
    out_type=(
        jax.ShapeDtypeStruct((_NW, _L), jnp.float32),
        jax.ShapeDtypeStruct((_NW, _L), jnp.int32),
    ),
    mesh=_mesh(),
    compiler_params=pltpu.CompilerParams(needs_layout_passes=False),
    scratch_types=[
        pltpu.VMEM((2, _CH1, _IN), jnp.float32),
        pltpu.VMEM((1, _IN), jnp.float32),
        pltpu.VMEM((_L,), jnp.float32),
        pltpu.VMEM((_L,), jnp.int32),
        pltpu.SemaphoreType.DMA,
        pltpu.SemaphoreType.DMA,
    ],
)
def _ka(w1_hbm, x_hbm, vals_hbm, idx_hbm, w1_v, x_v, cv_v, ci_v, sem0, sem1):
    wid = _wid()
    iota = _iota()
    base1 = _TCR + wid * _R1
    sems = (sem0, sem1)

    for b in range(2):
        pltpu.make_async_copy(
            w1_hbm.at[pl.ds(base1 + b * _CH1, _CH1)],
            w1_v.at[b], sems[b]).start()
    pltpu.sync_copy(x_hbm, x_v)

    ngroups = _CH1 // _L
    runv = jnp.full((_L,), _BIG_F, jnp.float32)
    runi = jnp.zeros((_L,), jnp.int32)
    for cc in range(_NCH1):
        b = cc % 2
        pltpu.make_async_copy(
            w1_hbm.at[pl.ds(base1 + cc * _CH1, _CH1)],
            w1_v.at[b], sems[b]).wait()

        def body(k2, accs, b=b):
            new = list(accs)
            for u in range(2):
                k = k2 * 2 + u
                kv = jnp.full((_L,), k, jnp.int32)
                xb = plsc.load_gather(
                    x_v, [jnp.zeros((_L,), jnp.int32), kv])
                for g in range(ngroups):
                    w = plsc.load_gather(
                        w1_v, [jnp.full((_L,), b, jnp.int32),
                               g * _L + iota, kv])
                    d = w - xb
                    new[g] = new[g] + d * d
            return tuple(new)

        accs = lax.fori_loop(
            0, _IN // 2, body,
            tuple(jnp.zeros((_L,), jnp.float32) for _ in range(ngroups)))

        for g in range(ngroups):
            gidx = base1 + cc * _CH1 + g * _L + iota
            sel = accs[g] < runv
            runv = jnp.where(sel, accs[g], runv)
            runi = jnp.where(sel, gidx, runi)

        nxt = cc + 2
        if nxt < _NCH1:
            pltpu.make_async_copy(
                w1_hbm.at[pl.ds(base1 + nxt * _CH1, _CH1)],
                w1_v.at[b], sems[b]).start()

    cv_v[...] = runv
    ci_v[...] = runi
    pltpu.sync_copy(cv_v, vals_hbm.at[wid])
    pltpu.sync_copy(ci_v, idx_hbm.at[wid])


_TCB = 128
_NB = _H2 // _TCB
_TB1 = _TCR // _NB


def _kb_body(w_ref, w1_ref, x_ref, o_ref, bm_ref, bi_ref):
    w = w_ref[...]
    o_ref[...] = jnp.sum(w * w, axis=1, keepdims=True)
    step = pl.program_id(0)
    d1 = w1_ref[...] - x_ref[...]
    d2 = jnp.sum(d1 * d1, axis=1, keepdims=True)
    bm = jnp.min(d2)
    rows = lax.broadcasted_iota(jnp.int32, (_TB1, 1), 0) + step * _TB1
    bm_ref[0, 0, 0] = bm
    bi_ref[0, 0, 0] = jnp.min(jnp.where(d2 == bm, rows, _BIG_I))


_kb = pl.pallas_call(
    _kb_body,
    grid=(_NB,),
    in_specs=[
        pl.BlockSpec((_TCB, _H1), lambda i: (i, 0)),
        pl.BlockSpec((_TB1, _IN), lambda i: (i, 0)),
        pl.BlockSpec((1, _IN), lambda i: (0, 0)),
    ],
    out_specs=[
        pl.BlockSpec((_TCB, 1), lambda i: (i, 0)),
        pl.BlockSpec((1, 1, 1), lambda i: (i, 0, 0), memory_space=pltpu.SMEM),
        pl.BlockSpec((1, 1, 1), lambda i: (i, 0, 0), memory_space=pltpu.SMEM),
    ],
    out_shape=[
        jax.ShapeDtypeStruct((_H2, 1), jnp.float32),
        jax.ShapeDtypeStruct((_NB, 1, 1), jnp.float32),
        jax.ShapeDtypeStruct((_NB, 1, 1), jnp.int32),
    ],
)


def _kc_body(v1_ref, i1_ref, bm_ref, bi_ref, n2_ref, w2_ref, fcw_ref,
             fcb_ref, out_ref, w2c, fcc, sem0, sem1):
    bm = bm_ref[:, :, 0]
    mv_tc = jnp.min(bm)
    i_tc = jnp.min(jnp.where(bm == mv_tc, bi_ref[:, :, 0], _BIG_I))
    v1 = v1_ref[...]
    i1 = i1_ref[...]
    mv_sc = jnp.min(v1)
    i_sc = jnp.min(jnp.where(v1 == mv_sc, i1, _BIG_I))
    c1 = jnp.where(mv_tc <= mv_sc, i_tc, i_sc)
    c1a = pl.multiple_of((c1 // 128) * 128, 128)
    c1m = c1 % 128
    cp1 = pltpu.make_async_copy(w2_ref.at[:, pl.ds(c1a, 128)], w2c, sem0)
    cp1.start()
    cp1.wait()
    lanes = lax.broadcasted_iota(jnp.int32, (_H2, 128), 1)
    sm = jnp.where(lanes == c1m, n2_ref[...] - 2.0 * w2c[...], _BIG_F)
    mv2 = jnp.min(sm)
    rows = lax.broadcasted_iota(jnp.int32, (_H2, 128), 0)
    c2 = jnp.min(jnp.where(sm == mv2, rows, _BIG_I))
    c2a = pl.multiple_of((c2 // 128) * 128, 128)
    c2m = c2 % 128
    cp2 = pltpu.make_async_copy(fcw_ref.at[:, pl.ds(c2a, 128)], fcc, sem1)
    cp2.start()
    cp2.wait()
    lanes2 = lax.broadcasted_iota(jnp.int32, (_OUT, 128), 1)
    fcol = jnp.sum(jnp.where(lanes2 == c2m, fcc[...], 0.0), axis=1)
    out_ref[...] = fcol + fcb_ref[...]


_kc = pl.pallas_call(
    _kc_body,
    in_specs=[
        pl.BlockSpec(memory_space=pltpu.VMEM),
        pl.BlockSpec(memory_space=pltpu.VMEM),
        pl.BlockSpec(memory_space=pltpu.VMEM),
        pl.BlockSpec(memory_space=pltpu.VMEM),
        pl.BlockSpec(memory_space=pltpu.VMEM),
        pl.BlockSpec(memory_space=pl.ANY),
        pl.BlockSpec(memory_space=pl.ANY),
        pl.BlockSpec(memory_space=pltpu.VMEM),
    ],
    out_specs=pl.BlockSpec(memory_space=pltpu.VMEM),
    out_shape=jax.ShapeDtypeStruct((_OUT,), jnp.float32),
    scratch_shapes=[
        pltpu.VMEM((_H2, 128), jnp.float32),
        pltpu.VMEM((_OUT, 128), jnp.float32),
        pltpu.SemaphoreType.DMA,
        pltpu.SemaphoreType.DMA,
    ],
)


def kernel(x, reward, W1, T1, W2, T2, fc_w, fc_b):
    del reward, T1, T2
    x2 = x.reshape(1, _IN)
    n2, bm, bi = _kb(W2, W1, x2)
    v1, i1 = _ka(W1, x2)
    return _kc(v1, i1, bm, bi, n2, W2, fc_w, fc_b)

# --- scband reference (transcript-rebuilt; emitter-appended) ---
"""Pipeline reference for scband-spiking-feastnetwork-71940702208581 (READ-ONLY COPY).

The authoritative reference and input builder live on the scoring server;
editing this copy changes nothing except your own understanding.
"""

import jax, jax.numpy as jnp
import numpy as np


def setup_inputs(seed: int = 0) -> dict:
    key = jax.random.key(seed)
    ks = jax.random.split(key, 8)
    input_size, hidden_size, hidden_size2, output_size = 256, 8192, 1024, 1000
    return {
        "x": jax.random.normal(ks[0], (input_size,), dtype=jnp.float32),
        "reward": jnp.ones((), dtype=jnp.float32),
        "W1": jax.random.normal(ks[1], (hidden_size, input_size), dtype=jnp.float32),
        "T1": jax.random.normal(ks[2], (hidden_size,), dtype=jnp.float32),
        "W2": jax.random.normal(ks[3], (hidden_size2, hidden_size), dtype=jnp.float32),
        "T2": jax.random.normal(ks[4], (hidden_size2,), dtype=jnp.float32),
        "fc_w": jax.random.normal(ks[5], (output_size, hidden_size2), dtype=jnp.float32) * 0.03,
        "fc_b": jnp.zeros((output_size,), dtype=jnp.float32),
    }


def feast_layer(x, W, T, f_open=0.01, lr_thresh=0.01, lr_weights=0.01, lr=1.0):
    # values = ||W - x|| per neuron (distance scan over codebook)
    values = jnp.linalg.norm(W - x[None, :], axis=1)
    closest = jnp.argmin(values)
    eligible = values <= T
    # thresholds[~eligible] += f_open
    T_open = jnp.where(~eligible, T + f_open, T)
    # local FEAST state updates (side effects in the torch module; do not affect output)
    delta_thresh = values[closest] - T_open[closest]
    T_new = T_open.at[closest].add(delta_thresh * lr_thresh * lr)
    delta_w = x - W[closest]
    W_new = W.at[closest].add(delta_w * lr_weights * lr)
    # closest recomputed from the (unchanged) values tensor
    closest2 = jnp.argmin(values)
    activation = jnp.zeros((W.shape[0],), dtype=x.dtype).at[closest2].set(1.0)
    return activation, W_new, T_new


def reference(x, reward, W1, T1, W2, T2, fc_w, fc_b):
    # NOTE: original torch SpikingFEASTNetwork.forward passes `reward` to layers whose
    # forward signature does not accept it (a latent bug); reward is treated as unused.
    a1, _, _ = feast_layer(x, W1, T1)
    a2, _, _ = feast_layer(a1, W2, T2)
    out = a2 @ fc_w.T + fc_b
    return out

if __name__ == "__main__":
    import jax
    _d = setup_inputs()
    print(jax.jit(kernel)(*tuple(_d.values())))

</pallas_src>

<mosaic_0001>
#map = affine_map<(d0, d1) -> (0, 0)>
module attributes {stable_mosaic.version = 14 : i64} {
  func.func @_ka(%arg0: i32, %arg1: i32, %arg2: memref<8192x256xf32, #tpu.memory_space<hbm>>, %arg3: memref<1x256xf32, #tpu.memory_space<hbm>>, %arg4: memref<32x16xf32, #tpu.memory_space<hbm>>, %arg5: memref<32x16xi32, #tpu.memory_space<hbm>>, %arg6: memref<2x32x256xf32, #tpu.memory_space<vmem>>, %arg7: memref<1x256xf32, #tpu.memory_space<vmem>>, %arg8: memref<16xf32, #tpu.memory_space<vmem>>, %arg9: memref<16xi32, #tpu.memory_space<vmem>>, %arg10: memref<!tpu.dma_semaphore, #tpu.memory_space<semaphore_mem>>, %arg11: memref<!tpu.dma_semaphore, #tpu.memory_space<semaphore_mem>>) attributes {dimension_semantics = [#tpu.dimension_semantics<core_parallel>, #tpu.dimension_semantics<subcore_parallel>], iteration_bounds = array<i64: 2, 16>, scalar_prefetch = 0 : i64, scratch_operands = 6 : i64, tpu.core_type = #tpu.core_type<sc_vector_subcore>, window_params = [{transform_indices = #map}, {transform_indices = #map}, {transform_indices = #map}, {transform_indices = #map}]} {
    %mul3A = arith.constant 2 : i32
    %mul3A_0 = arith.muli %arg1, %mul3A : i32
    %add3A = arith.addi %mul3A_0, %arg0 : i32
    %iota3A = tpu.iota {dimensions = array<i32: 0>} : vector<16xi32>
    %mul3A_1 = arith.constant 64 : i32
    %mul3A_2 = arith.muli %add3A, %mul3A_1 : i32
    %add3A_3 = arith.constant 6144 : i32
    %add3A_4 = arith.addi %add3A_3, %mul3A_2 : i32
    %add3A_5 = arith.constant 0 : i32
    %add3A_6 = arith.addi %add3A_4, %add3A_5 : i32
    %dma_start3A = arith.constant 0 : i32
    %dma_start3A_7 = arith.constant 0 : i32
    %dma_start3A_8 = arith.constant 0 : i32
    %dma_start3A_9 = tpu.memref_slice %arg6[%dma_start3A, %dma_start3A_7, %dma_start3A_8] : memref<2x32x256xf32, #tpu.memory_space<vmem>> -> memref<1x32x256xf32, #tpu.memory_space<vmem>>
    %dma_start3A_10 = tpu.memref_squeeze %dma_start3A_9 : memref<1x32x256xf32, #tpu.memory_space<vmem>> -> memref<32x256xf32, #tpu.memory_space<vmem>>
    %dma_start3A_11 = arith.constant 0 : i32
    %dma_start3A_12 = tpu.memref_slice %arg2[%add3A_6, %dma_start3A_11] : memref<8192x256xf32, #tpu.memory_space<hbm>> -> memref<32x256xf32, #tpu.memory_space<hbm>>
    %dma_start3A_13 = arith.constant 0 : i32
    %dma_start3A_14 = arith.constant 0 : i32
    %dma_start3A_15 = tpu.memref_slice %arg6[%dma_start3A, %dma_start3A_13, %dma_start3A_14] : memref<2x32x256xf32, #tpu.memory_space<vmem>> -> memref<1x32x256xf32, #tpu.memory_space<vmem>>
    %dma_start3A_16 = tpu.memref_squeeze %dma_start3A_15 : memref<1x32x256xf32, #tpu.memory_space<vmem>> -> memref<32x256xf32, #tpu.memory_space<vmem>>
    %dma_start3A_17 = arith.constant 0 : i32
    %dma_start3A_18 = tpu.memref_slice %arg2[%add3A_6, %dma_start3A_17] : memref<8192x256xf32, #tpu.memory_space<hbm>> -> memref<32x256xf32, #tpu.memory_space<hbm>>
    tpu.enqueue_dma source(%dma_start3A_18 : memref<32x256xf32, #tpu.memory_space<hbm>>) target(%dma_start3A_16 : memref<32x256xf32, #tpu.memory_space<vmem>>) target_semaphore(%arg10 : memref<!tpu.dma_semaphore, #tpu.memory_space<semaphore_mem>>)
    %add3A_19 = arith.constant 32 : i32
    %add3A_20 = arith.addi %add3A_4, %add3A_19 : i32
    %dma_start3A_21 = arith.constant 1 : i32
    %dma_start3A_22 = arith.constant 0 : i32
    %dma_start3A_23 = arith.constant 0 : i32
    %dma_start3A_24 = tpu.memref_slice %arg6[%dma_start3A_21, %dma_start3A_22, %dma_start3A_23] : memref<2x32x256xf32, #tpu.memory_space<vmem>> -> memref<1x32x256xf32, #tpu.memory_space<vmem>>
    %dma_start3A_25 = tpu.memref_squeeze %dma_start3A_24 : memref<1x32x256xf32, #tpu.memory_space<vmem>> -> memref<32x256xf32, #tpu.memory_space<vmem>>
    %dma_start3A_26 = arith.constant 0 : i32
    %dma_start3A_27 = tpu.memref_slice %arg2[%add3A_20, %dma_start3A_26] : memref<8192x256xf32, #tpu.memory_space<hbm>> -> memref<32x256xf32, #tpu.memory_space<hbm>>
    %dma_start3A_28 = arith.constant 0 : i32
    %dma_start3A_29 = arith.constant 0 : i32
    %dma_start3A_30 = tpu.memref_slice %arg6[%dma_start3A_21, %dma_start3A_28, %dma_start3A_29] : memref<2x32x256xf32, #tpu.memory_space<vmem>> -> memref<1x32x256xf32, #tpu.memory_space<vmem>>
    %dma_start3A_31 = tpu.memref_squeeze %dma_start3A_30 : memref<1x32x256xf32, #tpu.memory_space<vmem>> -> memref<32x256xf32, #tpu.memory_space<vmem>>
    %dma_start3A_32 = arith.constant 0 : i32
    %dma_start3A_33 = tpu.memref_slice %arg2[%add3A_20, %dma_start3A_32] : memref<8192x256xf32, #tpu.memory_space<hbm>> -> memref<32x256xf32, #tpu.memory_space<hbm>>
    tpu.enqueue_dma source(%dma_start3A_33 : memref<32x256xf32, #tpu.memory_space<hbm>>) target(%dma_start3A_31 : memref<32x256xf32, #tpu.memory_space<vmem>>) target_semaphore(%arg11 : memref<!tpu.dma_semaphore, #tpu.memory_space<semaphore_mem>>)
    "tpu.region"() ({
      %run_scoped3A = tpu.sem_alloc : memref<!tpu.dma_semaphore, #tpu.memory_space<semaphore_mem>>
      tpu.enqueue_dma source(%arg3 : memref<1x256xf32, #tpu.memory_space<hbm>>) target(%arg7 : memref<1x256xf32, #tpu.memory_space<vmem>>) target_semaphore(%run_scoped3A : memref<!tpu.dma_semaphore, #tpu.memory_space<semaphore_mem>>)
      tpu.wait_dma2 semaphore(%run_scoped3A : memref<!tpu.dma_semaphore, #tpu.memory_space<semaphore_mem>>) src(%arg3 : memref<1x256xf32, #tpu.memory_space<hbm>>) dst(%arg7 : memref<1x256xf32, #tpu.memory_space<vmem>>)
      tpu.yield
    }) : () -> ()
    %broadcast_in_dim3A = arith.constant 3.000000e+38 : f32
    %broadcast_in_dim3A_34 = vector.broadcast %broadcast_in_dim3A : f32 to vector<16xf32>
    %broadcast_in_dim3A_35 = arith.constant 0 : i32
    %broadcast_in_dim3A_36 = vector.broadcast %broadcast_in_dim3A_35 : i32 to vector<16xi32>
    %add3A_37 = arith.constant 0 : i32
    %add3A_38 = arith.addi %add3A_4, %add3A_37 : i32
    %dma_wait3A = arith.constant 0 : i32
    %dma_wait3A_39 = arith.constant 0 : i32
    %dma_wait3A_40 = arith.constant 0 : i32
    %dma_wait3A_41 = tpu.memref_slice %arg6[%dma_wait3A, %dma_wait3A_39, %dma_wait3A_40] : memref<2x32x256xf32, #tpu.memory_space<vmem>> -> memref<1x32x256xf32, #tpu.memory_space<vmem>>
    %dma_wait3A_42 = tpu.memref_squeeze %dma_wait3A_41 : memref<1x32x256xf32, #tpu.memory_space<vmem>> -> memref<32x256xf32, #tpu.memory_space<vmem>>
    %dma_wait3A_43 = arith.constant 0 : i32
    %dma_wait3A_44 = tpu.memref_slice %arg2[%add3A_38, %dma_wait3A_43] : memref<8192x256xf32, #tpu.memory_space<hbm>> -> memref<32x256xf32, #tpu.memory_space<hbm>>
    %dma_wait3A_45 = arith.constant 0 : i32
    %dma_wait3A_46 = arith.constant 0 : i32
    %dma_wait3A_47 = tpu.memref_slice %arg6[%dma_wait3A, %dma_wait3A_45, %dma_wait3A_46] : memref<2x32x256xf32, #tpu.memory_space<vmem>> -> memref<1x32x256xf32, #tpu.memory_space<vmem>>
    %dma_wait3A_48 = tpu.memref_squeeze %dma_wait3A_47 : memref<1x32x256xf32, #tpu.memory_space<vmem>> -> memref<32x256xf32, #tpu.memory_space<vmem>>
    %dma_wait3A_49 = arith.constant 0 : i32
    %dma_wait3A_50 = tpu.memref_slice %arg2[%add3A_38, %dma_wait3A_49] : memref<8192x256xf32, #tpu.memory_space<hbm>> -> memref<32x256xf32, #tpu.memory_space<hbm>>
    tpu.wait_dma2 semaphore(%arg10 : memref<!tpu.dma_semaphore, #tpu.memory_space<semaphore_mem>>) src(%dma_wait3A_50 : memref<32x256xf32, #tpu.memory_space<hbm>>) dst(%dma_wait3A_48 : memref<32x256xf32, #tpu.memory_space<vmem>>)
    %broadcast_in_dim3A_51 = arith.constant 0.000000e+00 : f32
    %broadcast_in_dim3A_52 = vector.broadcast %broadcast_in_dim3A_51 : f32 to vector<16xf32>
    %broadcast_in_dim3A_53 = arith.constant 0.000000e+00 : f32
    %broadcast_in_dim3A_54 = vector.broadcast %broadcast_in_dim3A_53 : f32 to vector<16xf32>
    %scan3A = arith.constant 0 : i32
    %scan3A_55 = arith.constant 128 : i32
    %scan3A_56 = arith.addi %scan3A, %scan3A_55 : i32
    %scan3A_57 = arith.constant 1 : i32
    %scan3A_58:2 = scf.for %scan3A_122 = %scan3A to %scan3A_56 step %scan3A_57 iter_args(%scan3A_123 = %broadcast_in_dim3A_52, %scan3A_124 = %broadcast_in_dim3A_54) -> (vector<16xf32>, vector<16xf32>)  : i32 {
      %mul3A_125 = arith.constant 2 : i32
      %mul3A_126 = arith.muli %scan3A_122, %mul3A_125 : i32
      %add3A_127 = arith.constant 0 : i32
      %add3A_128 = arith.addi %mul3A_126, %add3A_127 : i32
      %broadcast_in_dim3A_129 = vector.broadcast %add3A_128 : i32 to vector<16xi32>
      %broadcast_in_dim3A_130 = arith.constant 0 : i32
      %broadcast_in_dim3A_131 = vector.broadcast %broadcast_in_dim3A_130 : i32 to vector<16xi32>
      %gather3A = tpu.vector_load_idx %arg7[%broadcast_in_dim3A_131, %broadcast_in_dim3A_129] : memref<1x256xf32, #tpu.memory_space<vmem>>[vector<16xi32>, vector<16xi32>], vector<16xf32>,
      %broadcast_in_dim3A_132 = arith.constant 0 : i32
      %broadcast_in_dim3A_133 = vector.broadcast %broadcast_in_dim3A_132 : i32 to vector<16xi32>
      %add3A_134 = arith.constant 0 : i32
      %add3A_135 = vector.broadcast %add3A_134 : i32 to vector<16xi32>
      %add3A_136 = arith.addi %add3A_135, %iota3A : vector<16xi32>
      %gather3A_137 = tpu.vector_load_idx %arg6[%broadcast_in_dim3A_133, %add3A_136, %broadcast_in_dim3A_129] : memref<2x32x256xf32, #tpu.memory_space<vmem>>[vector<16xi32>, vector<16xi32>, vector<16xi32>], vector<16xf32>,
      %sub3A = arith.subf %gather3A_137, %gather3A : vector<16xf32>
      %mul3A_138 = arith.mulf %sub3A, %sub3A : vector<16xf32>
      %add3A_139 = arith.addf %scan3A_123, %mul3A_138 : vector<16xf32>
      %broadcast_in_dim3A_140 = arith.constant 0 : i32
      %broadcast_in_dim3A_141 = vector.broadcast %broadcast_in_dim3A_140 : i32 to vector<16xi32>
      %add3A_142 = arith.constant 16 : i32
      %add3A_143 = vector.broadcast %add3A_142 : i32 to vector<16xi32>
      %add3A_144 = arith.addi %add3A_143, %iota3A : vector<16xi32>
      %gather3A_145 = tpu.vector_load_idx %arg6[%broadcast_in_dim3A_141, %add3A_144, %broadcast_in_dim3A_129] : memref<2x32x256xf32, #tpu.memory_space<vmem>>[vector<16xi32>, vector<16xi32>, vector<16xi32>], vector<16xf32>,
      %sub3A_146 = arith.subf %gather3A_145, %gather3A : vector<16xf32>
      %mul3A_147 = arith.mulf %sub3A_146, %sub3A_146 : vector<16xf32>
      %add3A_148 = arith.addf %scan3A_124, %mul3A_147 : vector<16xf32>
      %mul3A_149 = arith.constant 2 : i32
      %mul3A_150 = arith.muli %scan3A_122, %mul3A_149 : i32
      %add3A_151 = arith.constant 1 : i32
      %add3A_152 = arith.addi %mul3A_150, %add3A_151 : i32
      %broadcast_in_dim3A_153 = vector.broadcast %add3A_152 : i32 to vector<16xi32>
      %broadcast_in_dim3A_154 = arith.constant 0 : i32
      %broadcast_in_dim3A_155 = vector.broadcast %broadcast_in_dim3A_154 : i32 to vector<16xi32>
      %gather3A_156 = tpu.vector_load_idx %arg7[%broadcast_in_dim3A_155, %broadcast_in_dim3A_153] : memref<1x256xf32, #tpu.memory_space<vmem>>[vector<16xi32>, vector<16xi32>], vector<16xf32>,
      %broadcast_in_dim3A_157 = arith.constant 0 : i32
      %broadcast_in_dim3A_158 = vector.broadcast %broadcast_in_dim3A_157 : i32 to vector<16xi32>
      %add3A_159 = arith.constant 0 : i32
      %add3A_160 = vector.broadcast %add3A_159 : i32 to vector<16xi32>
      %add3A_161 = arith.addi %add3A_160, %iota3A : vector<16xi32>
      %gather3A_162 = tpu.vector_load_idx %arg6[%broadcast_in_dim3A_158, %add3A_161, %broadcast_in_dim3A_153] : memref<2x32x256xf32, #tpu.memory_space<vmem>>[vector<16xi32>, vector<16xi32>, vector<16xi32>], vector<16xf32>,
      %sub3A_163 = arith.subf %gather3A_162, %gather3A_156 : vector<16xf32>
      %mul3A_164 = arith.mulf %sub3A_163, %sub3A_163 : vector<16xf32>
      %add3A_165 = arith.addf %add3A_139, %mul3A_164 : vector<16xf32>
      %broadcast_in_dim3A_166 = arith.constant 0 : i32
      %broadcast_in_dim3A_167 = vector.broadcast %broadcast_in_dim3A_166 : i32 to vector<16xi32>
      %add3A_168 = arith.constant 16 : i32
      %add3A_169 = vector.broadcast %add3A_168 : i32 to vector<16xi32>
      %add3A_170 = arith.addi %add3A_169, %iota3A : vector<16xi32>
      %gather3A_171 = tpu.vector_load_idx %arg6[%broadcast_in_dim3A_167, %add3A_170, %broadcast_in_dim3A_153] : memref<2x32x256xf32, #tpu.memory_space<vmem>>[vector<16xi32>, vector<16xi32>, vector<16xi32>], vector<16xf32>,
      %sub3A_172 = arith.subf %gather3A_171, %gather3A_156 : vector<16xf32>
      %mul3A_173 = arith.mulf %sub3A_172, %sub3A_172 : vector<16xf32>
      %add3A_174 = arith.addf %add3A_148, %mul3A_173 : vector<16xf32>
      scf.yield %add3A_165, %add3A_174 : vector<16xf32>, vector<16xf32>
    }
    %scan3A_59 = arith.constant 128 : i32
    %add3A_60 = arith.constant 0 : i32
    %add3A_61 = arith.addi %add3A_4, %add3A_60 : i32
    %add3A_62 = arith.constant 0 : i32
    %add3A_63 = arith.addi %add3A_61, %add3A_62 : i32
    %add3A_64 = vector.broadcast %add3A_63 : i32 to vector<16xi32>
    %add3A_65 = arith.addi %add3A_64, %iota3A : vector<16xi32>
    %lt3A = arith.cmpf olt, %scan3A_58#0, %broadcast_in_dim3A_34 : vector<16xf32>
    %select_n3A = arith.select %lt3A, %scan3A_58#0, %broadcast_in_dim3A_34 : vector<16xi1>, vector<16xf32>
    %select_n3A_66 = arith.select %lt3A, %add3A_65, %broadcast_in_dim3A_36 : vector<16xi1>, vector<16xi32>
    %add3A_67 = arith.constant 0 : i32
    %add3A_68 = arith.addi %add3A_4, %add3A_67 : i32
    %add3A_69 = arith.constant 16 : i32
    %add3A_70 = arith.addi %add3A_68, %add3A_69 : i32
    %add3A_71 = vector.broadcast %add3A_70 : i32 to vector<16xi32>
    %add3A_72 = arith.addi %add3A_71, %iota3A : vector<16xi32>
    %lt3A_73 = arith.cmpf olt, %scan3A_58#1, %select_n3A : vector<16xf32>
    %select_n3A_74 = arith.select %lt3A_73, %scan3A_58#1, %select_n3A : vector<16xi1>, vector<16xf32>
    %select_n3A_75 = arith.select %lt3A_73, %add3A_72, %select_n3A_66 : vector<16xi1>, vector<16xi32>
    %add3A_76 = arith.constant 32 : i32
    %add3A_77 = arith.addi %add3A_4, %add3A_76 : i32
    %dma_wait3A_78 = arith.constant 1 : i32
    %dma_wait3A_79 = arith.constant 0 : i32
    %dma_wait3A_80 = arith.constant 0 : i32
    %dma_wait3A_81 = tpu.memref_slice %arg6[%dma_wait3A_78, %dma_wait3A_79, %dma_wait3A_80] : memref<2x32x256xf32, #tpu.memory_space<vmem>> -> memref<1x32x256xf32, #tpu.memory_space<vmem>>
    %dma_wait3A_82 = tpu.memref_squeeze %dma_wait3A_81 : memref<1x32x256xf32, #tpu.memory_space<vmem>> -> memref<32x256xf32, #tpu.memory_space<vmem>>
    %dma_wait3A_83 = arith.constant 0 : i32
    %dma_wait3A_84 = tpu.memref_slice %arg2[%add3A_77, %dma_wait3A_83] : memref<8192x256xf32, #tpu.memory_space<hbm>> -> memref<32x256xf32, #tpu.memory_space<hbm>>
    %dma_wait3A_85 = arith.constant 0 : i32
    %dma_wait3A_86 = arith.constant 0 : i32
    %dma_wait3A_87 = tpu.memref_slice %arg6[%dma_wait3A_78, %dma_wait3A_85, %dma_wait3A_86] : memref<2x32x256xf32, #tpu.memory_space<vmem>> -> memref<1x32x256xf32, #tpu.memory_space<vmem>>
    %dma_wait3A_88 = tpu.memref_squeeze %dma_wait3A_87 : memref<1x32x256xf32, #tpu.memory_space<vmem>> -> memref<32x256xf32, #tpu.memory_space<vmem>>
    %dma_wait3A_89 = arith.constant 0 : i32
    %dma_wait3A_90 = tpu.memref_slice %arg2[%add3A_77, %dma_wait3A_89] : memref<8192x256xf32, #tpu.memory_space<hbm>> -> memref<32x256xf32, #tpu.memory_space<hbm>>
    tpu.wait_dma2 semaphore(%arg11 : memref<!tpu.dma_semaphore, #tpu.memory_space<semaphore_mem>>) src(%dma_wait3A_90 : memref<32x256xf32, #tpu.memory_space<hbm>>) dst(%dma_wait3A_88 : memref<32x256xf32, #tpu.memory_space<vmem>>)
    %broadcast_in_dim3A_91 = arith.constant 0.000000e+00 : f32
    %broadcast_in_dim3A_92 = vector.broadcast %broadcast_in_dim3A_91 : f32 to vector<16xf32>
    %broadcast_in_dim3A_93 = arith.constant 0.000000e+00 : f32
    %broadcast_in_dim3A_94 = vector.broadcast %broadcast_in_dim3A_93 : f32 to vector<16xf32>
    %scan3A_95 = arith.constant 0 : i32
    %scan3A_96 = arith.constant 128 : i32
    %scan3A_97 = arith.addi %scan3A_95, %scan3A_96 : i32
    %scan3A_98 = arith.constant 1 : i32
    %scan3A_99:2 = scf.for %scan3A_122 = %scan3A_95 to %scan3A_97 step %scan3A_98 iter_args(%scan3A_123 = %broadcast_in_dim3A_92, %scan3A_124 = %broadcast_in_dim3A_94) -> (vector<16xf32>, vector<16xf32>)  : i32 {
      %mul3A_125 = arith.constant 2 : i32
      %mul3A_126 = arith.muli %scan3A_122, %mul3A_125 : i32
      %add3A_127 = arith.constant 0 : i32
      %add3A_128 = arith.addi %mul3A_126, %add3A_127 : i32
      %broadcast_in_dim3A_129 = vector.broadcast %add3A_128 : i32 to vector<16xi32>
      %broadcast_in_dim3A_130 = arith.constant 0 : i32
      %broadcast_in_dim3A_131 = vector.broadcast %broadcast_in_dim3A_130 : i32 to vector<16xi32>
      %gather3A = tpu.vector_load_idx %arg7[%broadcast_in_dim3A_131, %broadcast_in_dim3A_129] : memref<1x256xf32, #tpu.memory_space<vmem>>[vector<16xi32>, vector<16xi32>], vector<16xf32>,
      %broadcast_in_dim3A_132 = arith.constant 1 : i32
      %broadcast_in_dim3A_133 = vector.broadcast %broadcast_in_dim3A_132 : i32 to vector<16xi32>
      %add3A_134 = arith.constant 0 : i32
      %add3A_135 = vector.broadcast %add3A_134 : i32 to vector<16xi32>
      %add3A_136 = arith.addi %add3A_135, %iota3A : vector<16xi32>
      %gather3A_137 = tpu.vector_load_idx %arg6[%broadcast_in_dim3A_133, %add3A_136, %broadcast_in_dim3A_129] : memref<2x32x256xf32, #tpu.memory_space<vmem>>[vector<16xi32>, vector<16xi32>, vector<16xi32>], vector<16xf32>,
      %sub3A = arith.subf %gather3A_137, %gather3A : vector<16xf32>
      %mul3A_138 = arith.mulf %sub3A, %sub3A : vector<16xf32>
      %add3A_139 = arith.addf %scan3A_123, %mul3A_138 : vector<16xf32>
      %broadcast_in_dim3A_140 = arith.constant 1 : i32
      %broadcast_in_dim3A_141 = vector.broadcast %broadcast_in_dim3A_140 : i32 to vector<16xi32>
      %add3A_142 = arith.constant 16 : i32
      %add3A_143 = vector.broadcast %add3A_142 : i32 to vector<16xi32>
      %add3A_144 = arith.addi %add3A_143, %iota3A : vector<16xi32>
      %gather3A_145 = tpu.vector_load_idx %arg6[%broadcast_in_dim3A_141, %add3A_144, %broadcast_in_dim3A_129] : memref<2x32x256xf32, #tpu.memory_space<vmem>>[vector<16xi32>, vector<16xi32>, vector<16xi32>], vector<16xf32>,
      %sub3A_146 = arith.subf %gather3A_145, %gather3A : vector<16xf32>
      %mul3A_147 = arith.mulf %sub3A_146, %sub3A_146 : vector<16xf32>
      %add3A_148 = arith.addf %scan3A_124, %mul3A_147 : vector<16xf32>
      %mul3A_149 = arith.constant 2 : i32
      %mul3A_150 = arith.muli %scan3A_122, %mul3A_149 : i32
      %add3A_151 = arith.constant 1 : i32
      %add3A_152 = arith.addi %mul3A_150, %add3A_151 : i32
      %broadcast_in_dim3A_153 = vector.broadcast %add3A_152 : i32 to vector<16xi32>
      %broadcast_in_dim3A_154 = arith.constant 0 : i32
      %broadcast_in_dim3A_155 = vector.broadcast %broadcast_in_dim3A_154 : i32 to vector<16xi32>
      %gather3A_156 = tpu.vector_load_idx %arg7[%broadcast_in_dim3A_155, %broadcast_in_dim3A_153] : memref<1x256xf32, #tpu.memory_space<vmem>>[vector<16xi32>, vector<16xi32>], vector<16xf32>,
      %broadcast_in_dim3A_157 = arith.constant 1 : i32
      %broadcast_in_dim3A_158 = vector.broadcast %broadcast_in_dim3A_157 : i32 to vector<16xi32>
      %add3A_159 = arith.constant 0 : i32
      %add3A_160 = vector.broadcast %add3A_159 : i32 to vector<16xi32>
      %add3A_161 = arith.addi %add3A_160, %iota3A : vector<16xi32>
      %gather3A_162 = tpu.vector_load_idx %arg6[%broadcast_in_dim3A_158, %add3A_161, %broadcast_in_dim3A_153] : memref<2x32x256xf32, #tpu.memory_space<vmem>>[vector<16xi32>, vector<16xi32>, vector<16xi32>], vector<16xf32>,
      %sub3A_163 = arith.subf %gather3A_162, %gather3A_156 : vector<16xf32>
      %mul3A_164 = arith.mulf %sub3A_163, %sub3A_163 : vector<16xf32>
      %add3A_165 = arith.addf %add3A_139, %mul3A_164 : vector<16xf32>
      %broadcast_in_dim3A_166 = arith.constant 1 : i32
      %broadcast_in_dim3A_167 = vector.broadcast %broadcast_in_dim3A_166 : i32 to vector<16xi32>
      %add3A_168 = arith.constant 16 : i32
      %add3A_169 = vector.broadcast %add3A_168 : i32 to vector<16xi32>
      %add3A_170 = arith.addi %add3A_169, %iota3A : vector<16xi32>
      %gather3A_171 = tpu.vector_load_idx %arg6[%broadcast_in_dim3A_167, %add3A_170, %broadcast_in_dim3A_153] : memref<2x32x256xf32, #tpu.memory_space<vmem>>[vector<16xi32>, vector<16xi32>, vector<16xi32>], vector<16xf32>,
      %sub3A_172 = arith.subf %gather3A_171, %gather3A_156 : vector<16xf32>
      %mul3A_173 = arith.mulf %sub3A_172, %sub3A_172 : vector<16xf32>
      %add3A_174 = arith.addf %add3A_148, %mul3A_173 : vector<16xf32>
      scf.yield %add3A_165, %add3A_174 : vector<16xf32>, vector<16xf32>
    }
    %scan3A_100 = arith.constant 128 : i32
    %add3A_101 = arith.constant 32 : i32
    %add3A_102 = arith.addi %add3A_4, %add3A_101 : i32
    %add3A_103 = arith.constant 0 : i32
    %add3A_104 = arith.addi %add3A_102, %add3A_103 : i32
    %add3A_105 = vector.broadcast %add3A_104 : i32 to vector<16xi32>
    %add3A_106 = arith.addi %add3A_105, %iota3A : vector<16xi32>
    %lt3A_107 = arith.cmpf olt, %scan3A_99#0, %select_n3A_74 : vector<16xf32>
    %select_n3A_108 = arith.select %lt3A_107, %scan3A_99#0, %select_n3A_74 : vector<16xi1>, vector<16xf32>
    %select_n3A_109 = arith.select %lt3A_107, %add3A_106, %select_n3A_75 : vector<16xi1>, vector<16xi32>
    %add3A_110 = arith.constant 32 : i32
    %add3A_111 = arith.addi %add3A_4, %add3A_110 : i32
    %add3A_112 = arith.constant 16 : i32
    %add3A_113 = arith.addi %add3A_111, %add3A_112 : i32
    %add3A_114 = vector.broadcast %add3A_113 : i32 to vector<16xi32>
    %add3A_115 = arith.addi %add3A_114, %iota3A : vector<16xi32>
    %lt3A_116 = arith.cmpf olt, %scan3A_99#1, %select_n3A_108 : vector<16xf32>
    %select_n3A_117 = arith.select %lt3A_116, %scan3A_99#1, %select_n3A_108 : vector<16xi1>, vector<16xf32>
    %select_n3A_118 = arith.select %lt3A_116, %add3A_115, %select_n3A_109 : vector<16xi1>, vector<16xi32>
    %swap3A = arith.constant 0 : index
    %swap3A_119 = tpu.vector_load %arg8[%swap3A] {strides = array<i32>} : memref<16xf32, #tpu.memory_space<vmem>>, vector<16xf32>,
    tpu.vector_store %arg8[%swap3A], %select_n3A_117 {strides = array<i32>} : memref<16xf32, #tpu.memory_space<vmem>>, vector<16xf32>,
    %swap3A_120 = arith.constant 0 : index
    %swap3A_121 = tpu.vector_load %arg9[%swap3A_120] {strides = array<i32>} : memref<16xi32, #tpu.memory_space<vmem>>, vector<16xi32>,
    tpu.vector_store %arg9[%swap3A_120], %select_n3A_118 {strides = array<i32>} : memref<16xi32, #tpu.memory_space<vmem>>, vector<16xi32>,
    "tpu.region"() ({
      %run_scoped3A = tpu.sem_alloc : memref<!tpu.dma_semaphore, #tpu.memory_space<semaphore_mem>>
      %dma_start3A_122 = arith.constant 0 : i32
      %dma_start3A_123 = tpu.memref_slice %arg4[%add3A, %dma_start3A_122] : memref<32x16xf32, #tpu.memory_space<hbm>> -> memref<1x16xf32, #tpu.memory_space<hbm>>
      %dma_start3A_124 = tpu.memref_squeeze %dma_start3A_123 : memref<1x16xf32, #tpu.memory_space<hbm>> -> memref<16xf32, #tpu.memory_space<hbm>>
      %dma_start3A_125 = arith.constant 0 : i32
      %dma_start3A_126 = tpu.memref_slice %arg4[%add3A, %dma_start3A_125] : memref<32x16xf32, #tpu.memory_space<hbm>> -> memref<1x16xf32, #tpu.memory_space<hbm>>
      %dma_start3A_127 = tpu.memref_squeeze %dma_start3A_126 : memref<1x16xf32, #tpu.memory_space<hbm>> -> memref<16xf32, #tpu.memory_space<hbm>>
      tpu.enqueue_dma source(%arg8 : memref<16xf32, #tpu.memory_space<vmem>>) target(%dma_start3A_127 : memref<16xf32, #tpu.memory_space<hbm>>) target_semaphore(%run_scoped3A : memref<!tpu.dma_semaphore, #tpu.memory_space<semaphore_mem>>)
      %dma_wait3A_128 = arith.constant 0 : i32
      %dma_wait3A_129 = tpu.memref_slice %arg4[%add3A, %dma_wait3A_128] : memref<32x16xf32, #tpu.memory_space<hbm>> -> memref<1x16xf32, #tpu.memory_space<hbm>>
      %dma_wait3A_130 = tpu.memref_squeeze %dma_wait3A_129 : memref<1x16xf32, #tpu.memory_space<hbm>> -> memref<16xf32, #tpu.memory_space<hbm>>
      %dma_wait3A_131 = arith.constant 0 : i32
      %dma_wait3A_132 = tpu.memref_slice %arg4[%add3A, %dma_wait3A_131] : memref<32x16xf32, #tpu.memory_space<hbm>> -> memref<1x16xf32, #tpu.memory_space<hbm>>
      %dma_wait3A_133 = tpu.memref_squeeze %dma_wait3A_132 : memref<1x16xf32, #tpu.memory_space<hbm>> -> memref<16xf32, #tpu.memory_space<hbm>>
      tpu.wait_dma2 semaphore(%run_scoped3A : memref<!tpu.dma_semaphore, #tpu.memory_space<semaphore_mem>>) src(%arg8 : memref<16xf32, #tpu.memory_space<vmem>>) dst(%dma_wait3A_133 : memref<16xf32, #tpu.memory_space<hbm>>)
      tpu.yield
    }) : () -> ()
    "tpu.region"() ({
      %run_scoped3A = tpu.sem_alloc : memref<!tpu.dma_semaphore, #tpu.memory_space<semaphore_mem>>
      %dma_start3A_122 = arith.constant 0 : i32
      %dma_start3A_123 = tpu.memref_slice %arg5[%add3A, %dma_start3A_122] : memref<32x16xi32, #tpu.memory_space<hbm>> -> memref<1x16xi32, #tpu.memory_space<hbm>>
      %dma_start3A_124 = tpu.memref_squeeze %dma_start3A_123 : memref<1x16xi32, #tpu.memory_space<hbm>> -> memref<16xi32, #tpu.memory_space<hbm>>
      %dma_start3A_125 = arith.constant 0 : i32
      %dma_start3A_126 = tpu.memref_slice %arg5[%add3A, %dma_start3A_125] : memref<32x16xi32, #tpu.memory_space<hbm>> -> memref<1x16xi32, #tpu.memory_space<hbm>>
      %dma_start3A_127 = tpu.memref_squeeze %dma_start3A_126 : memref<1x16xi32, #tpu.memory_space<hbm>> -> memref<16xi32, #tpu.memory_space<hbm>>
      tpu.enqueue_dma source(%arg9 : memref<16xi32, #tpu.memory_space<vmem>>) target(%dma_start3A_127 : memref<16xi32, #tpu.memory_space<hbm>>) target_semaphore(%run_scoped3A : memref<!tpu.dma_semaphore, #tpu.memory_space<semaphore_mem>>)
      %dma_wait3A_128 = arith.constant 0 : i32
      %dma_wait3A_129 = tpu.memref_slice %arg5[%add3A, %dma_wait3A_128] : memref<32x16xi32, #tpu.memory_space<hbm>> -> memref<1x16xi32, #tpu.memory_space<hbm>>
      %dma_wait3A_130 = tpu.memref_squeeze %dma_wait3A_129 : memref<1x16xi32, #tpu.memory_space<hbm>> -> memref<16xi32, #tpu.memory_space<hbm>>
      %dma_wait3A_131 = arith.constant 0 : i32
      %dma_wait3A_132 = tpu.memref_slice %arg5[%add3A, %dma_wait3A_131] : memref<32x16xi32, #tpu.memory_space<hbm>> -> memref<1x16xi32, #tpu.memory_space<hbm>>
      %dma_wait3A_133 = tpu.memref_squeeze %dma_wait3A_132 : memref<1x16xi32, #tpu.memory_space<hbm>> -> memref<16xi32, #tpu.memory_space<hbm>>
      tpu.wait_dma2 semaphore(%run_scoped3A : memref<!tpu.dma_semaphore, #tpu.memory_space<semaphore_mem>>) src(%arg9 : memref<16xi32, #tpu.memory_space<vmem>>) dst(%dma_wait3A_133 : memref<16xi32, #tpu.memory_space<hbm>>)
      tpu.yield
    }) : () -> ()
    return
  }
}

module attributes {stable_mosaic.version = 14 : i64} {
  func.func @_kc_body(%arg0: memref<32x16xf32, #tpu.memory_space<vmem>>, %arg1: memref<32x16xi32, #tpu.memory_space<vmem>>, %arg2: memref<8x1x1xf32, #tpu.memory_space<vmem>>, %arg3: memref<8x1x1xi32, #tpu.memory_space<vmem>>, %arg4: memref<1024x1xf32, #tpu.memory_space<vmem>>, %arg5: memref<1024x8192xf32, #tpu.memory_space<any>>, %arg6: memref<1000x1024xf32, #tpu.memory_space<any>>, %arg7: memref<1000xf32, #tpu.memory_space<vmem>>, %arg8: memref<1000xf32, #tpu.memory_space<vmem>>, %arg9: memref<1024x128xf32, #tpu.memory_space<vmem>>, %arg10: memref<1000x128xf32, #tpu.memory_space<vmem>>, %arg11: memref<!tpu.dma_semaphore, #tpu.memory_space<semaphore_mem>>, %arg12: memref<!tpu.dma_semaphore, #tpu.memory_space<semaphore_mem>>) attributes {dimension_semantics = [], scalar_prefetch = 0 : i64, scratch_operands = 4 : i64, tpu.core_type = #tpu.core_type<tc>} {
    %get3A = arith.constant 0 : index
    %get3A_0 = arith.constant 0 : index
    %get3A_1 = arith.constant 0 : index
    %get3A_2 = vector.load %arg2[%get3A, %get3A_0, %get3A_1] : memref<8x1x1xf32, #tpu.memory_space<vmem>>, vector<8x1x1xf32>
    %get3A_3 = vector.shape_cast %get3A_2 : vector<8x1x1xf32> to vector<8x1xf32>
    %reduce_min3A = vector.shape_cast %get3A_3 : vector<8x1xf32> to vector<1x8x1xf32>
    %reduce_min3A_4 = arith.constant dense<0x7F800000> : vector<1xf32>
    %reduce_min3A_5 = vector.multi_reduction <minimumf>, %reduce_min3A, %reduce_min3A_4 [1, 2] : vector<1x8x1xf32> to vector<1xf32>
    %reduce_min3A_6 = vector.shape_cast %reduce_min3A_5 : vector<1xf32> to vector<1x1x1xf32>
    %reduce_min3A_7 = vector.extract %reduce_min3A_6[0, 0, 0] : f32 from vector<1x1x1xf32>
    %eq3A = vector.broadcast %reduce_min3A_7 : f32 to vector<8x1xf32>
    %eq3A_8 = arith.cmpf oeq, %get3A_3, %eq3A : vector<8x1xf32>
    %get3A_9 = arith.constant 0 : index
    %get3A_10 = arith.constant 0 : index
    %get3A_11 = arith.constant 0 : index
    %get3A_12 = vector.load %arg3[%get3A_9, %get3A_10, %get3A_11] : memref<8x1x1xi32, #tpu.memory_space<vmem>>, vector<8x1x1xi32>
    %get3A_13 = vector.shape_cast %get3A_12 : vector<8x1x1xi32> to vector<8x1xi32>
    %jit3A = arith.constant 1073741824 : i32
    %broadcast_in_dim3A = vector.broadcast %jit3A : i32 to vector<8x1xi32>
    %select_n3A = arith.select %eq3A_8, %get3A_13, %broadcast_in_dim3A : vector<8x1xi1>, vector<8x1xi32>
    %reduce_min3A_14 = vector.shape_cast %select_n3A : vector<8x1xi32> to vector<1x8x1xi32>
    %reduce_min3A_15 = arith.constant dense<2147483647> : vector<1xi32>
    %reduce_min3A_16 = vector.multi_reduction <minsi>, %reduce_min3A_14, %reduce_min3A_15 [1, 2] : vector<1x8x1xi32> to vector<1xi32>
    %reduce_min3A_17 = vector.shape_cast %reduce_min3A_16 : vector<1xi32> to vector<1x1x1xi32>
    %reduce_min3A_18 = vector.extract %reduce_min3A_17[0, 0, 0] : i32 from vector<1x1x1xi32>
    %get3A_19 = arith.constant 0 : index
    %get3A_20 = arith.constant 0 : index
    %get3A_21 = vector.load %arg0[%get3A_19, %get3A_20] : memref<32x16xf32, #tpu.memory_space<vmem>>, vector<32x16xf32>
    %get3A_22 = arith.constant 0 : index
    %get3A_23 = arith.constant 0 : index
    %get3A_24 = vector.load %arg1[%get3A_22, %get3A_23] : memref<32x16xi32, #tpu.memory_space<vmem>>, vector<32x16xi32>
    %reduce_min3A_25 = vector.shape_cast %get3A_21 : vector<32x16xf32> to vector<1x32x16xf32>
    %reduce_min3A_26 = arith.constant dense<0x7F800000> : vector<1xf32>
    %reduce_min3A_27 = vector.multi_reduction <minimumf>, %reduce_min3A_25, %reduce_min3A_26 [1, 2] : vector<1x32x16xf32> to vector<1xf32>
    %reduce_min3A_28 = vector.shape_cast %reduce_min3A_27 : vector<1xf32> to vector<1x1x1xf32>
    %reduce_min3A_29 = vector.extract %reduce_min3A_28[0, 0, 0] : f32 from vector<1x1x1xf32>
    %eq3A_30 = vector.broadcast %reduce_min3A_29 : f32 to vector<32x16xf32>
    %eq3A_31 = arith.cmpf oeq, %get3A_21, %eq3A_30 : vector<32x16xf32>
    %jit3A_32 = arith.constant 1073741824 : i32
    %broadcast_in_dim3A_33 = vector.broadcast %jit3A_32 : i32 to vector<32x16xi32>
    %select_n3A_34 = arith.select %eq3A_31, %get3A_24, %broadcast_in_dim3A_33 : vector<32x16xi1>, vector<32x16xi32>
    %reduce_min3A_35 = vector.shape_cast %select_n3A_34 : vector<32x16xi32> to vector<1x32x16xi32>
    %reduce_min3A_36 = arith.constant dense<2147483647> : vector<1xi32>
    %reduce_min3A_37 = vector.multi_reduction <minsi>, %reduce_min3A_35, %reduce_min3A_36 [1, 2] : vector<1x32x16xi32> to vector<1xi32>
    %reduce_min3A_38 = vector.shape_cast %reduce_min3A_37 : vector<1xi32> to vector<1x1x1xi32>
    %reduce_min3A_39 = vector.extract %reduce_min3A_38[0, 0, 0] : i32 from vector<1x1x1xi32>
    %le3A = arith.cmpf ole, %reduce_min3A_7, %reduce_min3A_29 : f32
    %select_n3A_40 = arith.select %le3A, %reduce_min3A_18, %reduce_min3A_39 : i32
    %jit3A_41 = arith.constant 128 : i32
    %div3A = arith.divsi %select_n3A_40, %jit3A_41 : i32
    %sign3A = arith.constant 0 : i32
    %sign3A_42 = arith.cmpi sgt, %select_n3A_40, %sign3A : i32
    %sign3A_43 = arith.extui %sign3A_42 : i1 to i32
    %sign3A_44 = arith.constant 0 : i32
    %sign3A_45 = arith.cmpi slt, %select_n3A_40, %sign3A_44 : i32
    %sign3A_46 = arith.extui %sign3A_45 : i1 to i32
    %sign3A_47 = arith.subi %sign3A_43, %sign3A_46 : i32
    %sign3A_48 = arith.constant 0 : i32
    %sign3A_49 = arith.cmpi sgt, %jit3A_41, %sign3A_48 : i32
    %sign3A_50 = arith.extui %sign3A_49 : i1 to i32
    %sign3A_51 = arith.constant 0 : i32
    %sign3A_52 = arith.cmpi slt, %jit3A_41, %sign3A_51 : i32
    %sign3A_53 = arith.extui %sign3A_52 : i1 to i32
    %sign3A_54 = arith.subi %sign3A_50, %sign3A_53 : i32
    %ne3A = arith.cmpi ne, %sign3A_47, %sign3A_54 : i32
    %rem3A = arith.remsi %select_n3A_40, %jit3A_41 : i32
    %ne3A_55 = arith.constant 0 : i32
    %ne3A_56 = arith.cmpi ne, %rem3A, %ne3A_55 : i32
    %and3A = arith.andi %ne3A, %ne3A_56 : i1
    %sub3A = arith.constant 1 : i32
    %sub3A_57 = arith.subi %div3A, %sub3A : i32
    %select_n3A_58 = arith.select %and3A, %sub3A_57, %div3A : i32
    %mul3A = arith.constant 128 : i32
    %mul3A_59 = arith.muli %select_n3A_58, %mul3A : i32
    %multiple_of3A = tpu.assume_multiple %mul3A_59, 128 : i32
    %jit3A_60 = arith.constant 128 : i32
    %eq3A_61 = arith.constant 0 : i32
    %eq3A_62 = arith.cmpi eq, %jit3A_60, %eq3A_61 : i32
    %jit3A_63 = arith.constant 1 : i32
    %select_n3A_64 = arith.select %eq3A_62, %jit3A_63, %jit3A_60 : i32
    %rem3A_65 = arith.remsi %select_n3A_40, %select_n3A_64 : i32
    %ne3A_66 = arith.constant 0 : i32
    %ne3A_67 = arith.cmpi ne, %rem3A_65, %ne3A_66 : i32
    %lt3A = arith.constant 0 : i32
    %lt3A_68 = arith.cmpi slt, %rem3A_65, %lt3A : i32
    %lt3A_69 = arith.constant 0 : i32
    %lt3A_70 = arith.cmpi slt, %select_n3A_64, %lt3A_69 : i32
    %ne3A_71 = arith.xori %lt3A_68, %lt3A_70 : i1
    %and3A_72 = arith.andi %ne3A_71, %ne3A_67 : i1
    %add3A = arith.addi %rem3A_65, %select_n3A_64 : i32
    %select_n3A_73 = arith.select %and3A_72, %add3A, %rem3A_65 : i32
    %dma_start3A = arith.constant 0 : i32
    %dma_start3A_74 = tpu.memref_slice %arg5[%dma_start3A, %multiple_of3A] : memref<1024x8192xf32, #tpu.memory_space<any>> -> memref<1024x128xf32, #tpu.memory_space<any>>
    tpu.enqueue_dma source(%dma_start3A_74 : memref<1024x128xf32, #tpu.memory_space<any>>) target(%arg9 : memref<1024x128xf32, #tpu.memory_space<vmem>>) target_semaphore(%arg11 : memref<!tpu.dma_semaphore, #tpu.memory_space<semaphore_mem>>)
    %dma_wait3A = arith.constant 0 : i32
    %dma_wait3A_75 = tpu.memref_slice %arg5[%dma_wait3A, %multiple_of3A] : memref<1024x8192xf32, #tpu.memory_space<any>> -> memref<1024x128xf32, #tpu.memory_space<any>>
    tpu.wait_dma2 semaphore(%arg11 : memref<!tpu.dma_semaphore, #tpu.memory_space<semaphore_mem>>) src(%dma_wait3A_75 : memref<1024x128xf32, #tpu.memory_space<any>>) dst(%arg9 : memref<1024x128xf32, #tpu.memory_space<vmem>>)
    %iota3A = tpu.iota {dimensions = array<i32: 1>} : vector<1024x128xi32>
    %eq3A_76 = vector.broadcast %select_n3A_73 : i32 to vector<1024x128xi32>
    %eq3A_77 = arith.cmpi eq, %iota3A, %eq3A_76 : vector<1024x128xi32>
    %get3A_78 = arith.constant 0 : index
    %get3A_79 = arith.constant 0 : index
    %get3A_80 = vector.load %arg4[%get3A_78, %get3A_79] : memref<1024x1xf32, #tpu.memory_space<vmem>>, vector<1024x1xf32>
    %get3A_81 = arith.constant 0 : index
    %get3A_82 = arith.constant 0 : index
    %get3A_83 = vector.load %arg9[%get3A_81, %get3A_82] : memref<1024x128xf32, #tpu.memory_space<vmem>>, vector<1024x128xf32>
    %mul3A_84 = arith.constant 2.000000e+00 : f32
    %mul3A_85 = vector.broadcast %mul3A_84 : f32 to vector<1024x128xf32>
    %mul3A_86 = arith.mulf %mul3A_85, %get3A_83 : vector<1024x128xf32>
    %sub3A_87 = vector.broadcast %get3A_80 : vector<1024x1xf32> to vector<1024x128xf32>
    %sub3A_88 = arith.subf %sub3A_87, %mul3A_86 : vector<1024x128xf32>
    %jit3A_89 = arith.constant 3.000000e+38 : f32
    %broadcast_in_dim3A_90 = vector.broadcast %jit3A_89 : f32 to vector<1024x128xf32>
    %select_n3A_91 = arith.select %eq3A_77, %sub3A_88, %broadcast_in_dim3A_90 : vector<1024x128xi1>, vector<1024x128xf32>
    %reduce_min3A_92 = vector.shape_cast %select_n3A_91 : vector<1024x128xf32> to vector<1x1024x128xf32>
    %reduce_min3A_93 = arith.constant dense<0x7F800000> : vector<1xf32>
    %reduce_min3A_94 = vector.multi_reduction <minimumf>, %reduce_min3A_92, %reduce_min3A_93 [1, 2] : vector<1x1024x128xf32> to vector<1xf32>
    %reduce_min3A_95 = vector.shape_cast %reduce_min3A_94 : vector<1xf32> to vector<1x1x1xf32>
    %reduce_min3A_96 = vector.extract %reduce_min3A_95[0, 0, 0] : f32 from vector<1x1x1xf32>
    %iota3A_97 = tpu.iota {dimensions = array<i32: 0>} : vector<1024x128xi32>
    %eq3A_98 = vector.broadcast %reduce_min3A_96 : f32 to vector<1024x128xf32>
    %eq3A_99 = arith.cmpf oeq, %select_n3A_91, %eq3A_98 : vector<1024x128xf32>
    %jit3A_100 = arith.constant 1073741824 : i32
    %broadcast_in_dim3A_101 = vector.broadcast %jit3A_100 : i32 to vector<1024x128xi32>
    %select_n3A_102 = arith.select %eq3A_99, %iota3A_97, %broadcast_in_dim3A_101 : vector<1024x128xi1>, vector<1024x128xi32>
    %reduce_min3A_103 = vector.shape_cast %select_n3A_102 : vector<1024x128xi32> to vector<1x1024x128xi32>
    %reduce_min3A_104 = arith.constant dense<2147483647> : vector<1xi32>
    %reduce_min3A_105 = vector.multi_reduction <minsi>, %reduce_min3A_103, %reduce_min3A_104 [1, 2] : vector<1x1024x128xi32> to vector<1xi32>
    %reduce_min3A_106 = vector.shape_cast %reduce_min3A_105 : vector<1xi32> to vector<1x1x1xi32>
    %reduce_min3A_107 = vector.extract %reduce_min3A_106[0, 0, 0] : i32 from vector<1x1x1xi32>
    %jit3A_108 = arith.constant 128 : i32
    %div3A_109 = arith.divsi %reduce_min3A_107, %jit3A_108 : i32
    %sign3A_110 = arith.constant 0 : i32
    %sign3A_111 = arith.cmpi sgt, %reduce_min3A_107, %sign3A_110 : i32
    %sign3A_112 = arith.extui %sign3A_111 : i1 to i32
    %sign3A_113 = arith.constant 0 : i32
    %sign3A_114 = arith.cmpi slt, %reduce_min3A_107, %sign3A_113 : i32
    %sign3A_115 = arith.extui %sign3A_114 : i1 to i32
    %sign3A_116 = arith.subi %sign3A_112, %sign3A_115 : i32
    %sign3A_117 = arith.constant 0 : i32
    %sign3A_118 = arith.cmpi sgt, %jit3A_108, %sign3A_117 : i32
    %sign3A_119 = arith.extui %sign3A_118 : i1 to i32
    %sign3A_120 = arith.constant 0 : i32
    %sign3A_121 = arith.cmpi slt, %jit3A_108, %sign3A_120 : i32
    %sign3A_122 = arith.extui %sign3A_121 : i1 to i32
    %sign3A_123 = arith.subi %sign3A_119, %sign3A_122 : i32
    %ne3A_124 = arith.cmpi ne, %sign3A_116, %sign3A_123 : i32
    %rem3A_125 = arith.remsi %reduce_min3A_107, %jit3A_108 : i32
    %ne3A_126 = arith.constant 0 : i32
    %ne3A_127 = arith.cmpi ne, %rem3A_125, %ne3A_126 : i32
    %and3A_128 = arith.andi %ne3A_124, %ne3A_127 : i1
    %sub3A_129 = arith.constant 1 : i32
    %sub3A_130 = arith.subi %div3A_109, %sub3A_129 : i32
    %select_n3A_131 = arith.select %and3A_128, %sub3A_130, %div3A_109 : i32
    %mul3A_132 = arith.constant 128 : i32
    %mul3A_133 = arith.muli %select_n3A_131, %mul3A_132 : i32
    %multiple_of3A_134 = tpu.assume_multiple %mul3A_133, 128 : i32
    %jit3A_135 = arith.constant 128 : i32
    %eq3A_136 = arith.constant 0 : i32
    %eq3A_137 = arith.cmpi eq, %jit3A_135, %eq3A_136 : i32
    %jit3A_138 = arith.constant 1 : i32
    %select_n3A_139 = arith.select %eq3A_137, %jit3A_138, %jit3A_135 : i32
    %rem3A_140 = arith.remsi %reduce_min3A_107, %select_n3A_139 : i32
    %ne3A_141 = arith.constant 0 : i32
    %ne3A_142 = arith.cmpi ne, %rem3A_140, %ne3A_141 : i32
    %lt3A_143 = arith.constant 0 : i32
    %lt3A_144 = arith.cmpi slt, %rem3A_140, %lt3A_143 : i32
    %lt3A_145 = arith.constant 0 : i32
    %lt3A_146 = arith.cmpi slt, %select_n3A_139, %lt3A_145 : i32
    %ne3A_147 = arith.xori %lt3A_144, %lt3A_146 : i1
    %and3A_148 = arith.andi %ne3A_147, %ne3A_142 : i1
    %add3A_149 = arith.addi %rem3A_140, %select_n3A_139 : i32
    %select_n3A_150 = arith.select %and3A_148, %add3A_149, %rem3A_140 : i32
    %dma_start3A_151 = arith.constant 0 : i32
    %dma_start3A_152 = tpu.memref_slice %arg6[%dma_start3A_151, %multiple_of3A_134] : memref<1000x1024xf32, #tpu.memory_space<any>> -> memref<1000x128xf32, #tpu.memory_space<any>>
    tpu.enqueue_dma source(%dma_start3A_152 : memref<1000x128xf32, #tpu.memory_space<any>>) target(%arg10 : memref<1000x128xf32, #tpu.memory_space<vmem>>) target_semaphore(%arg12 : memref<!tpu.dma_semaphore, #tpu.memory_space<semaphore_mem>>)
    %dma_wait3A_153 = arith.constant 0 : i32
    %dma_wait3A_154 = tpu.memref_slice %arg6[%dma_wait3A_153, %multiple_of3A_134] : memref<1000x1024xf32, #tpu.memory_space<any>> -> memref<1000x128xf32, #tpu.memory_space<any>>
    tpu.wait_dma2 semaphore(%arg12 : memref<!tpu.dma_semaphore, #tpu.memory_space<semaphore_mem>>) src(%dma_wait3A_154 : memref<1000x128xf32, #tpu.memory_space<any>>) dst(%arg10 : memref<1000x128xf32, #tpu.memory_space<vmem>>)
    %iota3A_155 = tpu.iota {dimensions = array<i32: 1>} : vector<1000x128xi32>
    %eq3A_156 = vector.broadcast %select_n3A_150 : i32 to vector<1000x128xi32>
    %eq3A_157 = arith.cmpi eq, %iota3A_155, %eq3A_156 : vector<1000x128xi32>
    %get3A_158 = arith.constant 0 : index
    %get3A_159 = arith.constant 0 : index
    %get3A_160 = vector.load %arg10[%get3A_158, %get3A_159] : memref<1000x128xf32, #tpu.memory_space<vmem>>, vector<1000x128xf32>
    %jit3A_161 = arith.constant 0.000000e+00 : f32
    %broadcast_in_dim3A_162 = vector.broadcast %jit3A_161 : f32 to vector<1000x128xf32>
    %select_n3A_163 = arith.select %eq3A_157, %get3A_160, %broadcast_in_dim3A_162 : vector<1000x128xi1>, vector<1000x128xf32>
    %reduce_sum3A = arith.constant dense<0.000000e+00> : vector<1000xf32>
    %reduce_sum3A_164 = vector.multi_reduction <add>, %select_n3A_163, %reduce_sum3A [1] : vector<1000x128xf32> to vector<1000xf32>
    %get3A_165 = arith.constant 0 : index
    %get3A_166 = vector.load %arg7[%get3A_165] : memref<1000xf32, #tpu.memory_space<vmem>>, vector<1000xf32>
    %add3A_167 = arith.addf %reduce_sum3A_164, %get3A_166 : vector<1000xf32>
    %swap3A = arith.constant 0 : index
    %swap3A_168 = vector.load %arg8[%swap3A] : memref<1000xf32, #tpu.memory_space<vmem>>, vector<1000xf32>
    tpu.vector_store %arg8[%swap3A], %add3A_167 {strides = array<i32>} : memref<1000xf32, #tpu.memory_space<vmem>>, vector<1000xf32>,
    return
  }
}

module attributes {stable_mosaic.version = 14 : i64} {
  func.func @_kb_body(%arg0: i32, %arg1: memref<128x8192xf32, #tpu.memory_space<vmem>>, %arg2: memref<768x256xf32, #tpu.memory_space<vmem>>, %arg3: memref<1x256xf32, #tpu.memory_space<vmem>>, %arg4: memref<128x1xf32, #tpu.memory_space<vmem>>, %arg5: memref<1x1x1xf32, #tpu.memory_space<smem>>, %arg6: memref<1x1x1xi32, #tpu.memory_space<smem>>) attributes {dimension_semantics = [#tpu.dimension_semantics<arbitrary>], iteration_bounds = array<i64: 8>, scalar_prefetch = 0 : i64, scratch_operands = 0 : i64, tpu.core_type = #tpu.core_type<tc>, window_params = [{transform_indices = @transform_0, window_bounds = array<i64: 128, 8192>}, {transform_indices = @transform_1, window_bounds = array<i64: 768, 256>}, {pipeline_mode = #tpu.pipeline_mode<synchronous>, transform_indices = @transform_2, window_bounds = array<i64: 1, 256>}, {transform_indices = @transform_3, window_bounds = array<i64: 128, 1>}, {transform_indices = @transform_4, window_bounds = array<i64: 1, 1, 1>}, {transform_indices = @transform_5, window_bounds = array<i64: 1, 1, 1>}]} {
    %get3A = arith.constant 0 : index
    %get3A_0 = arith.constant 0 : index
    %get3A_1 = vector.load %arg1[%get3A, %get3A_0] : memref<128x8192xf32, #tpu.memory_space<vmem>>, vector<128x8192xf32>
    %mul3A = arith.mulf %get3A_1, %get3A_1 : vector<128x8192xf32>
    %reduce_sum3A = arith.constant dense<0.000000e+00> : vector<128xf32>
    %reduce_sum3A_2 = vector.multi_reduction <add>, %mul3A, %reduce_sum3A [1] : vector<128x8192xf32> to vector<128xf32>
    %broadcast_in_dim3A = vector.shape_cast %reduce_sum3A_2 : vector<128xf32> to vector<128x1xf32>
    %swap3A = arith.constant 0 : index
    %swap3A_3 = arith.constant 0 : index
    %swap3A_4 = vector.load %arg4[%swap3A, %swap3A_3] : memref<128x1xf32, #tpu.memory_space<vmem>>, vector<128x1xf32>
    tpu.vector_store %arg4[%swap3A, %swap3A_3], %broadcast_in_dim3A {strides = array<i32>} : memref<128x1xf32, #tpu.memory_space<vmem>>, vector<128x1xf32>,
    %get3A_5 = arith.constant 0 : index
    %get3A_6 = arith.constant 0 : index
    %get3A_7 = vector.load %arg2[%get3A_5, %get3A_6] : memref<768x256xf32, #tpu.memory_space<vmem>>, vector<768x256xf32>
    %get3A_8 = arith.constant 0 : index
    %get3A_9 = arith.constant 0 : index
    %get3A_10 = vector.load %arg3[%get3A_8, %get3A_9] : memref<1x256xf32, #tpu.memory_space<vmem>>, vector<1x256xf32>
    %sub3A = vector.broadcast %get3A_10 : vector<1x256xf32> to vector<768x256xf32>
    %sub3A_11 = arith.subf %get3A_7, %sub3A : vector<768x256xf32>
    %mul3A_12 = arith.mulf %sub3A_11, %sub3A_11 : vector<768x256xf32>
    %reduce_sum3A_13 = arith.constant dense<0.000000e+00> : vector<768xf32>
    %reduce_sum3A_14 = vector.multi_reduction <add>, %mul3A_12, %reduce_sum3A_13 [1] : vector<768x256xf32> to vector<768xf32>
    %broadcast_in_dim3A_15 = vector.shape_cast %reduce_sum3A_14 : vector<768xf32> to vector<768x1xf32>
    %reduce_min3A = vector.shape_cast %broadcast_in_dim3A_15 : vector<768x1xf32> to vector<1x768x1xf32>
    %reduce_min3A_16 = arith.constant dense<0x7F800000> : vector<1xf32>
    %reduce_min3A_17 = vector.multi_reduction <minimumf>, %reduce_min3A, %reduce_min3A_16 [1, 2] : vector<1x768x1xf32> to vector<1xf32>
    %reduce_min3A_18 = vector.shape_cast %reduce_min3A_17 : vector<1xf32> to vector<1x1x1xf32>
    %reduce_min3A_19 = vector.extract %reduce_min3A_18[0, 0, 0] : f32 from vector<1x1x1xf32>
    %iota3A = tpu.iota {dimensions = array<i32: 0>} : vector<768x1xi32>
    %mul3A_20 = arith.constant 768 : i32
    %mul3A_21 = arith.muli %arg0, %mul3A_20 : i32
    %add3A = vector.broadcast %mul3A_21 : i32 to vector<768x1xi32>
    %add3A_22 = arith.addi %iota3A, %add3A : vector<768x1xi32>
    %swap3A_23 = arith.constant 0 : index
    %swap3A_24 = arith.constant 0 : index
    %swap3A_25 = arith.constant 0 : index
    %swap3A_26 = memref.load %arg5[%swap3A_23, %swap3A_24, %swap3A_25] : memref<1x1x1xf32, #tpu.memory_space<smem>>
    memref.store %reduce_min3A_19, %arg5[%swap3A_23, %swap3A_24, %swap3A_25] : memref<1x1x1xf32, #tpu.memory_space<smem>>
    %eq3A = vector.broadcast %reduce_min3A_19 : f32 to vector<768x1xf32>
    %eq3A_27 = arith.cmpf oeq, %broadcast_in_dim3A_15, %eq3A : vector<768x1xf32>
    %jit3A = arith.constant 1073741824 : i32
    %broadcast_in_dim3A_28 = vector.broadcast %jit3A : i32 to vector<768x1xi32>
    %select_n3A = arith.select %eq3A_27, %add3A_22, %broadcast_in_dim3A_28 : vector<768x1xi1>, vector<768x1xi32>
    %reduce_min3A_29 = vector.shape_cast %select_n3A : vector<768x1xi32> to vector<1x768x1xi32>
    %reduce_min3A_30 = arith.constant dense<2147483647> : vector<1xi32>
    %reduce_min3A_31 = vector.multi_reduction <minsi>, %reduce_min3A_29, %reduce_min3A_30 [1, 2] : vector<1x768x1xi32> to vector<1xi32>
    %reduce_min3A_32 = vector.shape_cast %reduce_min3A_31 : vector<1xi32> to vector<1x1x1xi32>
    %reduce_min3A_33 = vector.extract %reduce_min3A_32[0, 0, 0] : i32 from vector<1x1x1xi32>
    %swap3A_34 = arith.constant 0 : index
    %swap3A_35 = arith.constant 0 : index
    %swap3A_36 = arith.constant 0 : index
    %swap3A_37 = memref.load %arg6[%swap3A_34, %swap3A_35, %swap3A_36] : memref<1x1x1xi32, #tpu.memory_space<smem>>
    memref.store %reduce_min3A_33, %arg6[%swap3A_34, %swap3A_35, %swap3A_36] : memref<1x1x1xi32, #tpu.memory_space<smem>>
    return
  }
  func.func @transform_0(%arg0: i32) -> (i32, i32) {
    %c0_i32 = arith.constant 0 : i32
    %c0_i32_0 = arith.constant 0 : i32
    return %arg0, %c0_i32 : i32, i32
  }
  func.func @transform_1(%arg0: i32) -> (i32, i32) {
    %c0_i32 = arith.constant 0 : i32
    %c0_i32_0 = arith.constant 0 : i32
    return %arg0, %c0_i32 : i32, i32
  }
  func.func @transform_2(%arg0: i32) -> (i32, i32) {
    %c0_i32 = arith.constant 0 : i32
    %c0_i32_0 = arith.constant 0 : i32
    %c0_i32_1 = arith.constant 0 : i32
    return %c0_i32, %c0_i32_0 : i32, i32
  }
  func.func @transform_3(%arg0: i32) -> (i32, i32) {
    %c0_i32 = arith.constant 0 : i32
    %c0_i32_0 = arith.constant 0 : i32
    return %arg0, %c0_i32 : i32, i32
  }
  func.func @transform_4(%arg0: i32) -> (i32, i32, i32) {
    %c0_i32 = arith.constant 0 : i32
    %c0_i32_0 = arith.constant 0 : i32
    %c0_i32_1 = arith.constant 0 : i32
    return %arg0, %c0_i32, %c0_i32_0 : i32, i32, i32
  }
  func.func @transform_5(%arg0: i32) -> (i32, i32, i32) {
    %c0_i32 = arith.constant 0 : i32
    %c0_i32_0 = arith.constant 0 : i32
    %c0_i32_1 = arith.constant 0 : i32
    return %arg0, %c0_i32, %c0_i32_0 : i32, i32, i32
  }
}

</mosaic_0001>

<sc_bundles>
// kernel: kernel.5.cloned.1.call-start
scs
__scs_entry_jumppad:
0x0: {  	(pc) =	sbr.rel $0x88, $3  }
0x1: {  	(tag) =	ssettag $0x0;
	lr =	simm.s32 $0x1  }
0x2: {  	[smem:$0x3F9C] =	sst lr;
	_ =	strace $0xD0000000  }
0x3: {  	_ = 	snop  }
0x4: {  	_ = 	snop  }
0x5: {  	_ = 	snop  }
0x6: {  	_ = 	snop  }
0x7: {  	_ = 	snop  }
__scs_overlays_trampoline_lowered:
0x8: {  	[smem:$0x3FAB] =	sst s0  }
0x9: {  	[smem:$0x3FAC] =	sst s1  }
0xa: {  	[smem:$0x3FAD] =	sst s2  }
0xb: {  	[smem:$0x3FAE] =	sst s3  }
0xc: {  	[smem:$0x3FAF] =	sst s4  }
0xd: {  	[smem:$0x3FB0] =	sst s5  }
0xe: {  	[smem:$0x3FB1] =	sst s6  }
0xf: {  	[smem:$0x3FB2] =	sst s7  }
0x10: {  	[smem:$0x3FB3] =	sst s8  }
0x11: {  	[smem:$0x3FB4] =	sst s9;
	s0 =	simm.s32 @!p0 $0x0  }
0x12: {  	s1 =	sld [smem:$0x3F9A];
	s0 =	simm.s32 @p0 $0x1  }
0x13: {  	[smem:$0x3FB5] =	sst s0;
	s0 =	simm.s32 @!p1 $0x0  }
0x14: {  	s2 =	sld [smem:$0x3F99];
	s0 =	simm.s32 @p1 $0x1  }
0x15: {  	[smem:$0x3FB6] =	sst s0;
	s0 =	simm.s32 @!p2 $0x0  }
0x16: {  	s3 =	sld [smem:$0x3FDB];
	s0 =	simm.s32 @p2 $0x1  }
0x17: {  	s4 =	simm.s32 $0x1BF5;
	[smem:$0x3FB8] =	sst s0  }
0x18: {  	s0 =	sld [smem:$0x3F9B];
	_ =	swait.ge [sflag:s4], $0x0  }
0x19: {  	s7 =	sld [smem:$0x3F9C]  }
0x1a: {  	s8 =	sadd.s32 $0xFFFFE003, lr  }
0x1b: {  	s9 =	sadd.s32 $0xFFFFFEF7, lr;
	s5 =	simm.s32 $0xFFFFFFFF;
	p2 =	slt.u32 s8, $0xFFFFF086  }
0x1c: {  	p1 =	slt.u32 s9, $0xF7A;
	s5 =	simm.s32 @!p2 $0x0  }
0x1d: {  	s5 =	simm.s32 @p1 $0x1;
	p0 =	seq.s32 s7, s2  }
0x1e: {  	s7 =	smul.u32 @!p0 $0xF7A, s2;
	p2 =	seq.s32 @!p0 s5, $0x0  }
0x1f: {  	s9 =	smul.u32 $0xF7A, s1;
	s8 =	simm.s32 @!p0 $0x1BF5;
	p2 =	por !p2, p0  }
0x20: {  	[sflag:s8] =	ssyncset.s32 @!p0 $0xFFFFF086;
	s6 =	sadd.s32 @!p0 s3, s7;
	s7 =	simm.s32 @!p0 $0x108  }
0x21: {  	s3 =	sadd.s32 s3, s9;
	s6 =	sadd.s32 @!p0 $0x88, s6;
	s7 =	simm.s32 @p2 $0x1082  }
0x22: {  	[simem:s7], [sflag:s8] =	dma.local @!p0 [hbm:s6], $0xF7A  }
0x23: {  	s9 =	sor.u32 $0xD0000000, s2;
	s6 =	simm.s32 $0x108;
	_ =	swait.ge @!p0 [sflag:s8], $0x0  }
0x24: {  	s3 =	sadd.s32 $0x88, s3;
	s6 =	simm.s32 @!p1 $0x1082;
	[sflag:s4] =	ssyncset.s32 $0xFFFFF086  }
0x25: {  	[simem:s6], [sflag:s4] =	dma.local [hbm:s3], $0xF7A  }
0x26: {  	[smem:$0x3F9C] =	sst s1;
	(tag) =	ssettag s2;
	_ =	strace s9  }
0x27: {  	s1 =	sld [smem:$0x3FAC]  }
0x28: {  	s2 =	sld [smem:$0x3FAD]  }
0x29: {  	s4 =	sld [smem:$0x3FAF]  }
0x2a: {  	p0 =	seq.s32 s5, $0x0;
	s5 =	sld [smem:$0x3FB0]  }
0x2b: {  	s6 =	sld [smem:$0x3FB1]  }
0x2c: {  	s7 =	sld [smem:$0x3FB2]  }
0x2d: {  	s3 =	simm.s32 $0x108;
	s8 =	sld [smem:$0x3FB3]  }
0x2e: {  	s3 =	simm.s32 @!p0 $0x1082;
	s9 =	sld [smem:$0x3FB4]  }
0x2f: {  	lr =	sadd.s32 s0, s3;
	s0 =	sld [smem:$0x3FAB]  }
0x30: {  	s3 =	sld [smem:$0x3FAE]  }
0x31: {  	[smem:$0x3FB7] =	sst s10  }
0x32: {  	s10 =	sld [smem:$0x3FB5];
	_ =	sdelay $0x3  }
0x33: {  	p0 =	seq.s32 s10, $0x1;
	s10 =	sld [smem:$0x3FB7];
	_ =	sdelay $0x3  }
0x34: {  	[smem:$0x3FB7] =	sst s10  }
0x35: {  	s10 =	sld [smem:$0x3FB6];
	_ =	sdelay $0x3  }
0x36: {  	p1 =	seq.s32 s10, $0x1;
	s10 =	sld [smem:$0x3FB7];
	_ =	sdelay $0x3  }
0x37: {  	[smem:$0x3FB7] =	sst s10  }
0x38: {  	s10 =	sld [smem:$0x3FB8]  }
0x39: {  	_ = 	snop;
	(pc) =	sbr.ind lr, $3  }
0x3a: {  	_ = 	snop  }
0x3b: {  	_ = 	snop  }
0x3c: {  	p2 =	seq.s32 s10, $0x1;
	s10 =	sld [smem:$0x3FB7]  }
0x3d: {  	_ =	shalt  }
0x3e: {  	_ =	shalt  }
0x3f: {  	_ =	shalt  }
0x40: {  	_ =	shalt  }
0x41: {  	_ =	shalt  }
0x42: {  	_ =	shalt  }
0x43: {  	_ =	shalt  }
0x44: {  	_ =	shalt  }
0x45: {  	_ =	shalt  }
0x46: {  	_ =	shalt  }
0x47: {  	_ =	shalt  }
0x48: {  	_ =	shalt  }
0x49: {  	_ =	shalt  }
0x4a: {  	_ =	shalt  }
0x4b: {  	_ =	shalt  }
0x4c: {  	_ =	shalt  }
0x4d: {  	_ =	shalt  }
0x4e: {  	_ =	shalt  }
0x4f: {  	_ =	shalt  }
0x50: {  	_ =	shalt  }
0x51: {  	_ =	shalt  }
0x52: {  	_ =	shalt  }
0x53: {  	_ =	shalt  }
0x54: {  	_ =	shalt  }
0x55: {  	_ =	shalt  }
0x56: {  	_ =	shalt  }
0x57: {  	_ =	shalt  }
0x58: {  	_ =	shalt  }
0x59: {  	_ =	shalt  }
0x5a: {  	_ =	shalt  }
0x5b: {  	_ =	shalt  }
0x5c: {  	_ =	shalt  }
0x5d: {  	_ =	shalt  }
0x5e: {  	_ =	shalt  }
0x5f: {  	_ =	shalt  }
0x60: {  	_ =	shalt  }
0x61: {  	_ =	shalt  }
0x62: {  	_ =	shalt  }
0x63: {  	_ =	shalt  }
0x64: {  	_ =	shalt  }
0x65: {  	_ =	shalt  }
0x66: {  	_ =	shalt  }
0x67: {  	_ =	shalt  }
0x68: {  	_ =	shalt  }
0x69: {  	_ =	shalt  }
0x6a: {  	_ =	shalt  }
0x6b: {  	_ =	shalt  }
0x6c: {  	_ =	shalt  }
0x6d: {  	_ =	shalt  }
0x6e: {  	_ =	shalt  }
0x6f: {  	_ =	shalt  }
0x70: {  	_ =	shalt  }
0x71: {  	_ =	shalt  }
0x72: {  	_ =	shalt  }
0x73: {  	_ =	shalt  }
0x74: {  	_ =	shalt  }
0x75: {  	_ =	shalt  }
0x76: {  	_ =	shalt  }
0x77: {  	_ =	shalt  }
0x78: {  	_ =	shalt  }
0x79: {  	_ =	shalt  }
0x7a: {  	_ =	shalt  }
0x7b: {  	_ =	shalt  }
0x7c: {  	_ =	shalt  }
0x7d: {  	_ =	shalt  }
0x7e: {  	_ =	shalt  }
0x7f: {  	_ =	shalt  }
0x80: {  	_ =	shalt  }
0x81: {  	_ =	shalt  }
0x82: {  	_ =	shalt  }
0x83: {  	_ =	shalt  }
0x84: {  	_ =	shalt  }
0x85: {  	_ =	shalt  }
0x86: {  	_ =	shalt  }
0x87: {  	_ =	shalt  }
.Lfunc_end0:
.L_simem_size_0:
called_computation_lowered:
.L_overlay_start_0:
0x88: {  	s2 =	sld [smem:$0x3FD9]  }
0x89: {  	s3 =	sld [smem:$0x3FFE];
	_ =	sdelay $0x1  }
0x8a: {  	s1 =	srdreg.scid  }
0x8b: {  	s0 =	sand.u32 $0x1, s1  }
0x8c: {  	s17 =	sshll.u32 s0, $0xA;
	s2 =	sadd.s32 s3, s2  }
0x8d: {  	s2 =	sadd.s32 s2, s17  }
0x8e: {  	[smem:$0x3FC3] =	sst s2  }
0x8f: {  	_ = 	snop  }
0x90: {  	s2 =	sld [smem:$0x3FC9]  }
0x91: {  	s18 =	sld [smem:$0x3FC8];
	(tm) =	ssettm $0x1  }
0x92: {  	s4 =	sld [smem:$0x3FFB];
	_ =	sdelay $0x3  }
0x93: {  	_ =	strace s4  }
0x94: {  	s4 =	sld [smem:$0x3FFC];
	_ =	sdelay $0x3  }
0x95: {  	_ =	strace s4  }
0x96: {  	s4 =	sld [smem:$0x3FFD];
	_ =	sdelay $0x3  }
0x97: {  	_ =	strace s4  }
0x98: {  	_ =	strace $0x8FFFFFFF  }
0x99: {  	s19 =	sld [smem:$0x3FDB];
	_ =	sdelay $0x1  }
0x9a: {  	s5 =	simm.s32 $_scs_section_size  }
0x9b: {  	s6 =	simm.s32 $_size__tile_overlayer_lowered;
	s7 =	simm.s32 $_tile_overlayer_lowered  }
0x9c: {  	s22 =	simm.s32 $0x1BFF;
	s21 =	sshll.u32 s7, $0x1;
	s4 =	sadd.s32 s5, s19  }
0x9d: {  	s8 =	simm.s32 $0x0;
	s20 =	sshll.u32 s6, $0x1;
	s6 =	sadd.s32 s21, s4  }
0x9e: {  	[timem:s8], [sflag:s22] =	dma.local [hbm:s6], s20  }
0x9f: {  	_ =	swait.ge [sflag:s22], s20  }
0xa0: {  	s5 =	ssub.s32 $0x0, s20;
	[sflag:s22] =	ssyncset.done $0x0  }
0xa1: {  	[sflag:s22] =	ssyncadd.s32 s5;
	_ =	sdelay $0x1  }
0xa2: {  	s23 =	simm.s32 $0x1B8B  }
0xa3: {  	_ =	swait.ge [sflag:s23], $0x1  }
0xa4: {  	[sflag:s23] =	ssyncset.done $0x0  }
0xa5: {  	s25 =	simm.s32 $0x1B8E;
	s24 =	sld [smem:$0x3FFE];
	[sflag:s23] =	ssyncadd.s32 $0xFFFFFFFF  }
0xa6: {  	s26 =	simm.s32 $execute0_lowered;
	[smem:$0x3FD2] =	sst s25  }
0xa7: {  	s6 =	sshll.u32 s26, $0x1;
	_ =	strace $0x80000046;
	[dreg:$0x1] =	wrdreg $0xFFFFFFFF  }
0xa8: {  	s28 =	simm.s32 $_size_execute0_lowered;
	s4 =	sadd.s32 s4, s6;
	[dreg:$0x0] =	wrdreg $0x0  }
0xa9: {  	s6 =	sshll.u32 s28, $0x1;
	[dreg:$0x2] =	wrdreg s4  }
0xaa: {  	[dreg:$0x3] =	wrdreg s6  }
0xab: {  	[dreg:$0x4] =	wrdreg $0xC0  }
0xac: {  	_ =	task [dreg:s8], $0x5FFFF  }
0xad: {  	[dreg:$0x1] =	wrdreg $0xFFFFFFFF  }
0xae: {  	[dreg:$0x0] =	wrdreg $0x60  }
0xaf: {  	[dreg:$0x2] =	wrdreg s18  }
0xb0: {  	[dreg:$0x3] =	wrdreg s2  }
0xb1: {  	[dreg:$0x4] =	wrdreg s24  }
0xb2: {  	[dreg:$0x5] =	wrdreg $0x9  }
0xb3: {  	_ =	task.clear_ibuf [dreg:s8], $0x6FFFF;
	_ =	strace $0x90000046  }
0xb4: {  	s29 =	simm.s32 $0x9;
	_ =	strace $0x80000048  }
0xb5: {  	_ =	swait.ge [sflag:s29], $0x1  }
0xb6: {  	[sflag:s29] =	ssyncadd.s32 $0xFFFFFFFF  }
0xb7: {  	_ =	strace $0x90000048  }
0xb8: {  	_ =	sfence  }
0xb9: {  	s30 =	sld [smem:$0x0];
	_ =	sdelay $0x2  }
0xba: {  	s31 =	sshll.u32 s1, $0xD;
	s1 =	sshrl.u32 s1, $0x2  }
0xbb: {  	s3 =	sand.u32 $0x4000, s31;
	s1 =	sadd.s32 s1, s30  }
0xbc: {  	s0 =	sor.u32 s3, s0;
	s1 =	sshll.u32 s1, $0x11  }
0xbd: {  	s0 =	sor.u32 s1, s0  }
0xbe: {  	s0 =	sadd.s32 $0x8F2B, s0  }
0xbf: {  	[sflag:s0] =	ssyncadd.remote.s32 $0x1  }
0xc0: {  	_ =	sfence.sel $0xFFFF  }
0xc1: {  	[dreg:$0x0] =	wrdreg $0xFFFFFFFF;
	(pc) =	sbr.abs _section_cstart, $3  }
0xc2: {  	[dreg:$0x1] =	wrdreg $0xFFFFFFFF  }
0xc3: {  	_ =	task.clear_ibuf [dreg:s8], $0x2FFFF;
	_ =	strace $0x9FFFFFFF  }
0xc4: {  	(tm) =	ssettm $0x7FFFFFFF  }
0xc5: {  	_ =	shalt  }
tec
execute0_lowered:
.L_overlay_start_1:
0x0: {  	(tag) =	ssettag $0x1  }
0x1: {  	v0 =	vimm.s32 $0xB80;
	vm14 =	vcmask $0x300;
	vm13 =	vcmask $0x704  }
0x2: {  	vm12 =	vcmask $0xB08;
	vm11 =	vcmask $0xF0C;
	vm10 =	vcmask $0x1310  }
0x3: {  	vm9 =	vcmask $0x1714;
	vm8 =	vcmask $0x1B18;
	vm7 =	vcmask $0x1F1C  }
0x4: {  	vm6 =	vcmask $0x2320;
	vm5 =	vcmask $0x2724;
	vm4 =	vcmask $0x2B28  }
0x5: {  	vm3 =	vcmask $0x2F2C;
	v3 =	vlaneseq.u32;
	vm1 =	vcmask $0x3330  }
0x6: {  	vm0 =	vcmask $0x3734;
	vm2 =	vcmask $0x3B38;
	v5 =	vimm.s32 $0x1B80  }
0x7: {  	v6 =	vimm.s32 $0x2B80;
	v7 =	vimm.s32 $0x3B80;
	v0 =	vsel vm14, $0x0, v0  }
0x8: {  	v5 =	vsel vm14, $0x1000, v5;
	v6 =	vsel vm14, $0x2000, v6;
	v7 =	vsel vm14, $0x3000, v7  }
0x9: {  	v0 =	vsel vm13, $0x80, v0;
	v5 =	vsel vm13, $0x1080, v5;
	v6 =	vsel vm13, $0x2080, v6  }
0xa: {  	v7 =	vsel vm13, $0x3080, v7;
	v0 =	vsel vm12, $0x100, v0;
	v5 =	vsel vm12, $0x1100, v5  }
0xb: {  	v6 =	vsel vm12, $0x2100, v6;
	v7 =	vsel vm12, $0x3100, v7;
	v0 =	vsel vm11, $0x180, v0  }
0xc: {  	v5 =	vsel vm11, $0x1180, v5;
	v6 =	vsel vm11, $0x2180, v6;
	v7 =	vsel vm11, $0x3180, v7  }
0xd: {  	v0 =	vsel vm10, $0x200, v0;
	v5 =	vsel vm10, $0x1200, v5;
	v6 =	vsel vm10, $0x2200, v6  }
0xe: {  	v7 =	vsel vm10, $0x3200, v7;
	v0 =	vsel vm9, $0x280, v0;
	v5 =	vsel vm9, $0x1280, v5  }
0xf: {  	v6 =	vsel vm9, $0x2280, v6;
	v7 =	vsel vm9, $0x3280, v7;
	v0 =	vsel vm8, $0x300, v0  }
0x10: {  	s1 =	srdreg.scid;
	s8 =	rddreg [dreg:$0x0];
	v5 =	vsel vm8, $0x1300, v5;
	v6 =	vsel vm8, $0x2300, v6;
	v7 =	vsel vm8, $0x3300, v7  }
0x11: {  	s0 =	stileid.u32;
	s9 =	rddreg [dreg:$0x2];
	v0 =	vsel vm7, $0x380, v0;
	v5 =	vsel vm7, $0x1380, v5;
	v6 =	vsel vm7, $0x2380, v6  }
0x12: {  	s3 =	simm.s32 $0x0;
	s4 =	sand.u32 $0x1, s1;
	s29 =	sshll.u32 s0, $0x1;
	v7 =	vsel vm7, $0x3380, v7;
	v0 =	vsel vm6, $0x800, v0;
	v5 =	vsel vm6, $0x1800, v5  }
0x13: {  	s11 =	simm.s32 $0x3;
	s12 =	simm.s32 $0x1;
	s5 =	sor.u32 s4, s29;
	v6 =	vsel vm6, $0x2800, v6;
	v7 =	vsel vm6, $0x3800, v7;
	v0 =	vsel vm5, $0x880, v0  }
0x14: {  	s13 =	simm.s32 $0x2;
	s14 =	simm.s32 $0x4100;
	s1 =	sshll.u32 s5, $0x6;
	v5 =	vsel vm5, $0x1880, v5;
	v6 =	vsel vm5, $0x2880, v6;
	v7 =	vsel vm5, $0x3880, v7  }
0x15: {  	s15 =	simm.s32 $0x4180;
	s16 =	simm.s32 $0x0;
	s6 =	sor.u32 $0x1800, s1;
	v0 =	vsel vm4, $0x900, v0;
	v5 =	vsel vm4, $0x1900, v5;
	v6 =	vsel vm4, $0x2900, v6  }
0x16: {  	[smem:$0x7FF] =	sst s3;
	s4 =	ssub.s32 $0x2, s4;
	s5 =	sshll.u32 s5, $0x4;
	v7 =	vsel vm4, $0x3900, v7;
	v1 =	vsel vm3, $0x980, v0;
	v0 =	vor.u32 s6, v3  }
0x17: {  	s30 =	sshrl.u32 s4, $0x1;
	s2 =	sor.u32 $0x1810, s1;
	s7 =	sor.u32 $0x1820, s1;
	v5 =	vsel vm3, $0x1980, v5;
	v6 =	vsel vm3, $0x2980, v6;
	v7 =	vsel vm3, $0x3980, v7  }
0x18: {  	s1 =	sor.u32 $0x1830, s1;
	s9 =	sadd.s32 s5, s9;
	s31 =	sshll.u32 s7, $0x5;
	v2 =	vsel vm1, $0xA00, v1;
	v1 =	vor.u32 s2, v3;
	v5 =	vsel vm1, $0x1A00, v5  }
0x19: {  	s10 =	ssub.s32 s4, s30;
	s5 =	sadd.s32 s8, s31;
	s6 =	sshll.u32 s6, $0x5;
	v6 =	vsel vm1, $0x2A00, v6;
	v7 =	vsel vm1, $0x3A00, v7;
	v4 =	vsel vm0, $0xA80, v2  }
0x1a: {  	s2 =	rddreg [dreg:$0x3];
	s4 =	sadd.s32 s8, s6;
	s6 =	sadd.s32 $0x1600, s9;
	v2 =	vor.u32 s7, v3;
	v3 =	vor.u32 s1, v3;
	v5 =	vsel vm0, $0x1A80, v5  }
0x1b: {  	s8 =	smax.u32 s10, $0x1;
	s1 =	rddreg [dreg:$0x1];
	_ =	strace $0x80000047;
	v6 =	vsel vm0, $0x2A80, v6;
	v7 =	vsel vm0, $0x3A80, v7;
	v4 =	vsel vm2, $0xB00, v4  }
0x1c: {  	s10 =	simm.s32 $0x4000;
	s7 =	sadd.s32 $0x1800, s9;
	s9 =	simm.s32 $0x2000;
	v5 =	vsel vm2, $0x1B00, v5;
	v6 =	vsel vm2, $0x2B00, v6;
	v7 =	vsel vm2, $0x3B00, v7  }
.LBB2_1:
0x1d: {  	[tilespmem:s3], [sflag:$0x1] =	stream.linear.gather [hbm4b:s4+s3], $0x2000, $0x38;
	[tilespmem:$0x4200] =	vst v63  }
0x1e: {  	_ = 	snop  }
0x1f: {  	[tilespmem:s9], [sflag:$0x2] =	stream.linear.gather [hbm4b:s5+s3], $0x2000, $0x38;
	[tilespmem:$0x4200] =	vst v63  }
0x20: {  	_ = 	snop  }
0x21: {  	v8 =	vmov s3;
	[tilespmem:s10], [sflag:$0x3] =	stream.linear.gather [hbm4b:s1+s3], $0x100, $0x38;
	[tilespmem:$0x4200] =	vst v63  }
0x22: {  	s17 =	simm.s32 $0x1;
	v9 =	vshll.u32 v8, $0x3;
	_ =	swait.ge [sflag:s11], $0x100  }
0x23: {  	v10 =	vand.u32 $0x7E, v8;
	v11 =	vmov s17;
	v9 =	vand.u32 $0x400, v9;
	[sflag:s11] =	ssyncset.done $0x0  }
0x24: {  	v12 =	vshll.u32 v11, $0x3;
	v9 =	vor.u32 v10, v9;
	[sflag:s11] =	ssyncadd.s32 $0xFFFFFF00  }
0x25: {  	v10 =	vand.u32 $0x7F, v11;
	v12 =	vand.u32 $0x400, v12;
	v13 =	vor.u32 v4, v9;
	_ =	swait.ge [sflag:s12], $0x2000  }
0x26: {  	v9 =	vor.u32 v5, v9;
	v10 =	vor.u32 v10, v12;
	[sflag:s12] =	ssyncset.done $0x0  }
0x27: {  	v12 =	vor.u32 v4, v10;
	[sflag:s12] =	ssyncadd.s32 $0xFFFFE000  }
0x28: {  	v10 =	vor.u32 v5, v10;
	v17 =	vld.idx.msk [tilespmem:v8+s10+$0x0], $0xffff  }
0x29: {  	s28 =	simm.s32 $0x2;
	v18 =	vld.idx.msk [tilespmem:v11+s10+$0x0], $0xffff  }
0x2a: {  	v14 =	vmov s28;
	v11 =	vld.idx.msk [tilespmem:v13+s3+$0x0], $0xffff  }
0x2b: {  	s29 =	simm.s32 $0x3;
	v8 =	vshll.u32 v14, $0x3;
	v20 =	vld.idx.msk [tilespmem:v9+s3+$0x0], $0xffff  }
0x2c: {  	s30 =	simm.s32 $0x4;
	v19 =	vmov s29;
	v13 =	vand.u32 $0x7E, v14;
	v21 =	vld.idx.msk [tilespmem:v12+s3+$0x0], $0xffff;
	v15 =	vand.u32 $0x400, v8  }
0x2d: {  	v9 =	vshll.u32 v19, $0x3;
	v22 =	vld.idx.msk [tilespmem:v10+s3+$0x0], $0xffff;
	v10 =	vmov s30;
	v12 =	vor.u32 v13, v15  }
0x2e: {  	v9 =	vand.u32 $0x400, v9;
	v13 =	vand.u32 $0x7F, v19;
	v23 =	vor.u32 v4, v12  }
0x2f: {  	v8 =	vimm.f32 $0.0e+00;
	v25 =	vor.u32 v5, v12;
	v12 =	vor.u32 v13, v9  }
0x30: {  	v24 =	vshll.u32 v10, $0x3;
	v15 =	vand.u32 $0x7E, v10;
	v16 =	vor.u32 v4, v12  }
0x31: {  	s31 =	simm.s32 $0x5;
	v9 =	vld.idx.msk [tilespmem:v14+s10+$0x0], $0xffff;
	v14 =	vor.u32 v5, v12;
	v13 =	vsub.f32 v11, v17;
	v17 =	vsub.f32 v20, v17  }
0x32: {  	v24 =	vand.u32 $0x400, v24;
	v12 =	vld.idx.msk [tilespmem:v19+s10+$0x0], $0xffff;
	v11 =	vmov s31;
	v26 =	vsub.f32 v21, v18  }
0x33: {  	v19 =	vsub.f32 v22, v18;
	v20 =	vmul.f32 v13, v13;
	v21 =	vmul.f32 v17, v17;
	v13 =	vld.idx.msk [tilespmem:v23+s3+$0x0], $0xffff  }
0x34: {  	s17 =	simm.s32 $0x6;
	v22 =	vmul.f32 v26, v26;
	v17 =	vimm.f32 $0.0e+00;
	v23 =	vshll.u32 v11, $0x3;
	v18 =	vld.idx.msk [tilespmem:v25+s3+$0x0], $0xffff  }
.LBB2_2:
0x35: {  	p0 =	sne.s32 s17, $0xFE;
	v25 =	vld.idx.msk [tilespmem:v16+s3+$0x0], $0xffff;
	v8 =	vadd.f32 v20, v8;
	v16 =	vadd.f32 v21, v17;
	v17 =	vmul.f32 v19, v19  }
0x36: {  	v15 =	vor.u32 v15, v24;
	v24 =	vand.u32 $0x7F, v11;
	v20 =	vand.u32 $0x400, v23;
	v23 =	vld.idx.msk [tilespmem:v14+s3+$0x0], $0xffff  }
0x37: {  	v21 =	vor.u32 v4, v15;
	v8 =	vadd.f32 v22, v8;
	v17 =	vadd.f32 v17, v16  }
0x38: {  	v26 =	vor.u32 v5, v15;
	v14 =	vor.u32 v24, v20;
	v22 =	vmov s17;
	v19 =	vmovc v12  }
.Ltmp0:
0x39: {  	v16 =	vor.u32 v4, v14;
	v15 =	vand.u32 $0x7E, v22;
	(pc) =	sbr.rel @p0 .LBB2_2-.Ltmp0, $4  }
0x3a: {  	s18 =	sadd.s32 $0x1, s17;
	v14 =	vor.u32 v5, v14;
	v20 =	vsub.f32 v13, v9;
	v18 =	vsub.f32 v18, v9;
	v9 =	vld.idx.msk [tilespmem:v10+s10+$0x0], $0xffff  }
0x3b: {  	v24 =	vshll.u32 v22, $0x3;
	v25 =	vsub.f32 v25, v19;
	v10 =	vmovc v22;
	v12 =	vld.idx.msk [tilespmem:v11+s10+$0x0], $0xffff;
	v11 =	vmov s18  }
0x3c: {  	v20 =	vmul.f32 v20, v20;
	v19 =	vsub.f32 v23, v19;
	v13 =	vld.idx.msk [tilespmem:v21+s3+$0x0], $0xffff;
	v21 =	vmul.f32 v18, v18  }
0x3d: {  	s17 =	sadd.s32 $0x2, s17;
	v24 =	vand.u32 $0x400, v24;
	v23 =	vshll.u32 v11, $0x3;
	v22 =	vmul.f32 v25, v25;
	v18 =	vld.idx.msk [tilespmem:v26+s3+$0x0], $0xffff  }
0x3e: {  	_ =	sdelay $0x2  }
0x3f: {  	v15 =	vor.u32 v15, v24  }
0x40: {  	v24 =	vand.u32 $0x7F, v11;
	v16 =	vld.idx.msk [tilespmem:v16+s3+$0x0], $0xffff;
	v25 =	vor.u32 v4, v15  }
0x41: {  	v23 =	vand.u32 $0x400, v23;
	v14 =	vld.idx.msk [tilespmem:v14+s3+$0x0], $0xffff;
	v8 =	vadd.f32 v20, v8;
	v15 =	vor.u32 v5, v15  }
0x42: {  	v17 =	vadd.f32 v21, v17;
	v23 =	vor.u32 v24, v23  }
0x43: {  	v19 =	vmul.f32 v19, v19;
	v24 =	vor.u32 v4, v23;
	v8 =	vadd.f32 v22, v8  }
0x44: {  	v10 =	vld.idx.msk [tilespmem:v10+s10+$0x0], $0xffff;
	v13 =	vsub.f32 v13, v9;
	v9 =	vsub.f32 v18, v9  }
0x45: {  	v20 =	vor.u32 v5, v23;
	v17 =	vadd.f32 v19, v17;
	v16 =	vsub.f32 v16, v12;
	v18 =	vld.idx.msk [tilespmem:v25+s3+$0x0], $0xffff  }
0x46: {  	v13 =	vmul.f32 v13, v13;
	v12 =	vsub.f32 v14, v12;
	v15 =	vld.idx.msk [tilespmem:v15+s3+$0x0], $0xffff;
	v9 =	vmul.f32 v9, v9  }
0x47: {  	v11 =	vld.idx.msk [tilespmem:v11+s10+$0x0], $0xffff;
	v16 =	vmul.f32 v16, v16  }
0x48: {  	v14 =	vld.idx.msk [tilespmem:v24+s3+$0x0], $0xffff;
	v8 =	vadd.f32 v13, v8;
	v12 =	vmul.f32 v12, v12;
	v9 =	vadd.f32 v9, v17;
	_ =	sdelay $0x1  }
0x49: {  	s17 =	simm.s32 $0x0;
	v8 =	vadd.f32 v16, v8;
	v9 =	vadd.f32 v12, v9  }
0x4a: {  	s26 =	simm.s32 $0x1;
	v16 =	vld.idx.msk [tilespmem:v20+s3+$0x0], $0xffff;
	v12 =	vmov s17;
	v13 =	vsub.f32 v18, v10;
	v10 =	vsub.f32 v15, v10  }
0x4b: {  	v15 =	vshll.u32 v12, $0x3;
	v17 =	vand.u32 $0x7E, v12;
	v18 =	vmov s26  }
0x4c: {  	v14 =	vsub.f32 v14, v11;
	v15 =	vand.u32 $0x400, v15;
	v19 =	vshll.u32 v18, $0x3  }
0x4d: {  	v13 =	vmul.f32 v13, v13;
	v10 =	vmul.f32 v10, v10;
	v15 =	vor.u32 v17, v15  }
0x4e: {  	_ =	swait.ge [sflag:s13], $0x2000;
	v17 =	vand.u32 $0x7F, v18;
	v19 =	vand.u32 $0x400, v19;
	v20 =	vor.u32 v6, v15  }
0x4f: {  	[sflag:s13] =	ssyncset.done $0x0;
	v11 =	vsub.f32 v16, v11;
	v15 =	vor.u32 v7, v15;
	v16 =	vor.u32 v17, v19  }
0x50: {  	[sflag:s13] =	ssyncadd.s32 $0xFFFFE000;
	v14 =	vmul.f32 v14, v14;
	v8 =	vadd.f32 v13, v8;
	v13 =	vor.u32 v6, v16  }
0x51: {  	s28 =	simm.s32 $0x2;
	v10 =	vadd.f32 v10, v9;
	v17 =	vld.idx.msk [tilespmem:v12+s10+$0x0], $0xffff;
	v12 =	vor.u32 v7, v16;
	v11 =	vmul.f32 v11, v11  }
0x52: {  	v16 =	vmov s28;
	v22 =	vld.idx.msk [tilespmem:v18+s10+$0x0], $0xffff  }
0x53: {  	s29 =	simm.s32 $0x3;
	v9 =	vadd.f32 v14, v8;
	v8 =	vadd.f32 v11, v10;
	v10 =	vshll.u32 v16, $0x3;
	v11 =	vld.idx.msk [tilespmem:v20+s3+$0x0], $0xffff  }
0x54: {  	v14 =	vand.u32 $0x7E, v16;
	v20 =	vmov s29;
	v18 =	vand.u32 $0x400, v10;
	v15 =	vld.idx.msk [tilespmem:v15+s3+$0x0], $0xffff  }
0x55: {  	v10 =	vimm.f32 $0.0e+00;
	v19 =	vshll.u32 v20, $0x3;
	v21 =	vld.idx.msk [tilespmem:v13+s3+$0x0], $0xffff;
	v13 =	vor.u32 v14, v18  }
0x56: {  	s30 =	simm.s32 $0x4;
	v14 =	vand.u32 $0x7F, v20;
	v23 =	vld.idx.msk [tilespmem:v12+s3+$0x0], $0xffff;
	v18 =	vand.u32 $0x400, v19;
	v25 =	vor.u32 v6, v13  }
0x57: {  	v12 =	vmov s30;
	v27 =	vor.u32 v7, v13;
	v13 =	vor.u32 v14, v18  }
0x58: {  	v26 =	vshll.u32 v12, $0x3;
	v18 =	vand.u32 $0x7E, v12;
	v19 =	vor.u32 v6, v13  }
0x59: {  	s31 =	simm.s32 $0x5;
	v24 =	vsub.f32 v11, v17;
	v11 =	vld.idx.msk [tilespmem:v16+s10+$0x0], $0xffff;
	v16 =	vor.u32 v7, v13;
	v17 =	vsub.f32 v15, v17  }
0x5a: {  	v14 =	vmov s31;
	v26 =	vand.u32 $0x400, v26;
	v13 =	vld.idx.msk [tilespmem:v20+s10+$0x0], $0xffff;
	v28 =	vsub.f32 v21, v22  }
0x5b: {  	v22 =	vsub.f32 v23, v22;
	v24 =	vmul.f32 v24, v24;
	v15 =	vld.idx.msk [tilespmem:v25+s3+$0x0], $0xffff;
	v21 =	vmul.f32 v17, v17  }
0x5c: {  	s17 =	simm.s32 $0x6;
	v25 =	vshll.u32 v14, $0x3;
	v20 =	vld.idx.msk [tilespmem:v27+s3+$0x0], $0xffff;
	v17 =	vimm.f32 $0.0e+00;
	v23 =	vmul.f32 v28, v28  }
.LBB2_4:
0x5d: {  	p0 =	sne.s32 s17, $0xFE;
	v27 =	vld.idx.msk [tilespmem:v19+s3+$0x0], $0xffff;
	v10 =	vadd.f32 v24, v10;
	v17 =	vadd.f32 v21, v17;
	v19 =	vmul.f32 v22, v22  }
0x5e: {  	v18 =	vor.u32 v18, v26;
	v21 =	vand.u32 $0x7F, v14;
	v26 =	vand.u32 $0x400, v25;
	v25 =	vld.idx.msk [tilespmem:v16+s3+$0x0], $0xffff  }
0x5f: {  	v24 =	vor.u32 v6, v18;
	v10 =	vadd.f32 v23, v10;
	v17 =	vadd.f32 v19, v17  }
0x60: {  	v28 =	vor.u32 v7, v18;
	v16 =	vor.u32 v21, v26;
	v23 =	vmov s17;
	v22 =	vmovc v13  }
.Ltmp1:
0x61: {  	v19 =	vor.u32 v6, v16;
	v18 =	vand.u32 $0x7E, v23;
	(pc) =	sbr.rel @p0 .LBB2_4-.Ltmp1, $4  }
0x62: {  	s18 =	sadd.s32 $0x1, s17;
	v16 =	vor.u32 v7, v16;
	v21 =	vsub.f32 v15, v11;
	v20 =	vsub.f32 v20, v11;
	v11 =	vld.idx.msk [tilespmem:v12+s10+$0x0], $0xffff  }
0x63: {  	v26 =	vshll.u32 v23, $0x3;
	v27 =	vsub.f32 v27, v22;
	v12 =	vmovc v23;
	v13 =	vld.idx.msk [tilespmem:v14+s10+$0x0], $0xffff;
	v14 =	vmov s18  }
0x64: {  	v22 =	vsub.f32 v25, v22;
	v15 =	vld.idx.msk [tilespmem:v24+s3+$0x0], $0xffff;
	v24 =	vmul.f32 v21, v21;
	v21 =	vmul.f32 v20, v20  }
0x65: {  	s17 =	sadd.s32 $0x2, s17;
	v26 =	vand.u32 $0x400, v26;
	v25 =	vshll.u32 v14, $0x3;
	v23 =	vmul.f32 v27, v27;
	v20 =	vld.idx.msk [tilespmem:v28+s3+$0x0], $0xffff  }
0x66: {  	_ =	sdelay $0x1  }
0x67: {  	v18 =	vor.u32 v18, v26  }
0x68: {  	v47 =	vand.u32 $0x7F, v14;
	v25 =	vand.u32 $0x400, v25;
	v27 =	vor.u32 v6, v18  }
0x69: {  	v19 =	vld.idx.msk [tilespmem:v19+s3+$0x0], $0xffff;
	v18 =	vor.u32 v7, v18;
	v25 =	vor.u32 v47, v25  }
0x6a: {  	v16 =	vld.idx.msk [tilespmem:v16+s3+$0x0], $0xffff;
	v26 =	vor.u32 v6, v25  }
0x6b: {  	v12 =	vld.idx.msk [tilespmem:v12+s10+$0x0], $0xffff;
	v25 =	vor.u32 v7, v25  }
0x6c: {  	v48 =	vld.idx.msk [tilespmem:v14+s10+$0x0], $0xffff;
	v10 =	vadd.f32 v24, v10  }
0x6d: {  	v15 =	vsub.f32 v15, v11;
	v27 =	vld.idx.msk [tilespmem:v27+s3+$0x0], $0xffff  }
0x6e: {  	v17 =	vadd.f32 v21, v17;
	v49 =	vmul.f32 v22, v22;
	v10 =	vadd.f32 v23, v10;
	v18 =	vld.idx.msk [tilespmem:v18+s3+$0x0], $0xffff  }
0x6f: {  	v50 =	vsub.f32 v20, v11;
	v19 =	vsub.f32 v19, v13;
	v15 =	vmul.f32 v15, v15;
	v51 =	vld.idx.msk [tilespmem:v26+s3+$0x0], $0xffff  }
0x70: {  	v17 =	vadd.f32 v49, v17;
	v53 =	vsub.f32 v16, v13;
	v52 =	vld.idx.msk [tilespmem:v25+s3+$0x0], $0xffff  }
0x71: {  	v11 =	vmul.f32 v50, v50;
	v54 =	vmul.f32 v19, v19;
	v10 =	vadd.f32 v15, v10  }
0x72: {  	vm0 =	vlt.f32 v9, $3.000000010e+38;
	v55 =	vsub.f32 v27, v12  }
0x73: {  	v13 =	vmul.f32 v53, v53;
	v11 =	vadd.f32 v11, v17;
	v10 =	vadd.f32 v54, v10  }
0x74: {  	v12 =	vsub.f32 v18, v12;
	v56 =	vsub.f32 v51, v48;
	v15 =	vmul.f32 v55, v55  }
0x75: {  	v9 =	vnsel vm0, $0x7F61B1E6, v9;
	v11 =	vadd.f32 v13, v11;
	v57 =	vsub.f32 v52, v48  }
0x76: {  	v12 =	vmul.f32 v12, v12;
	v58 =	vmul.f32 v56, v56;
	v10 =	vadd.f32 v15, v10  }
0x77: {  	vm1 =	vlt.f32 v8, v9  }
0x78: {  	v59 =	vmul.f32 v57, v57;
	v11 =	vadd.f32 v12, v11;
	v10 =	vadd.f32 v58, v10  }
0x79: {  	v8 =	vsel vm1, v8, v9  }
0x7a: {  	v60 =	vadd.f32 v59, v11;
	vm2 =	vlt.f32 v10, v8  }
0x7b: {  	v61 =	vnsel vm0, $0x0, v0;
	v8 =	vsel vm2, v10, v8  }
0x7c: {  	v62 =	vsel vm1, v1, v61;
	vm15 =	vlt.f32 v60, v8  }
0x7d: {  	v10 =	vsel vm2, v2, v62;
	v8 =	vsel vm15, v60, v8  }
0x7e: {  	v63 =	vsel vm15, v3, v10;
	[tilespmem:$0x4100] =	vst v8  }
0x7f: {  	[tilespmem:$0x4180] =	vst v63  }
0x80: {  	[hbm4b:s6+s3] =	stream.linear.scatter [tilespmem:s14], [sflag:$0x3], $0x80, $0x38;
	[tilespmem:$0x4200] =	vst v63  }
0x81: {  	s16 =	sadd.s32 $0x1, s16;
	_ =	swait.ge [sflag:s11], $0x80  }
0x82: {  	p0 =	sne.s32 s16, s8;
	[sflag:s11] =	ssyncset.done $0x0  }
.Ltmp2:
0x83: {  	[sflag:s11] =	ssyncadd.s32 $0xFFFFFF80;
	(pc) =	sbr.rel @p0 .LBB2_1-.Ltmp2, $4  }
0x84: {  	[hbm4b:s7+s3] =	stream.linear.scatter [tilespmem:s15], [sflag:$0x3], $0x80, $0x38;
	[tilespmem:$0x4200] =	vst v63  }
0x85: {  	_ =	swait.ge [sflag:s11], $0x80  }
0x86: {  	[sflag:s11] =	ssyncset.done $0x0  }
0x87: {  	[sflag:s11] =	ssyncadd.s32 $0xFFFFFF80  }
0x88: {  	_ =	sfence.sel $0x180000  }
0x89: {  	[bflag:$0x0] =	sbarrier.arrive $0xFFFF  }
0x8a: {  	p0 =	sne.s32 s0, $0x0;
	_ =	strace $0x90000047  }
0x8b: {  	s0 =	sadd.s32 @!p0 $0x100000, s2;
	[bflag:$0x2] =	sbarrier.arrive $0xFFFF  }
0x8c: {  	[sflag:s0] =	ssyncadd.tile.s32 @!p0 $0x1;
	_ =	shalt  }
.Lfunc_end2:
_tile_overlayer_lowered:
.L_overlay_start_2:
0x8d: {  	(tag) =	ssettag $0x2  }
0x8e: {  	s0 =	rddreg [dreg:$0x0];
	s2 =	stileid.u32  }
0x8f: {  	s1 =	rddreg [dreg:$0x1];
	p0 =	sne.s32 s2, $0x0  }
0x90: {  	s3 =	rddreg [dreg:$0x2];
	[bflag:$0x3] =	sbarrier.arrive $0xFFFF;
	s2 =	simm.s32 @!p0 $0x1C03  }
0x91: {  	[timem:s3], [sflag:s2] =	dma.local @!p0 [hbm:s0], s1  }
0x92: {  	s0 =	simm.s32 @!p0 $0x3  }
0x93: {  	_ =	swait.ge @!p0 [sflag:s0], s1  }
0x94: {  	s1 =	ssub.s32 @!p0 $0x0, s1;
	[sflag:s0] =	ssyncset.done @!p0 $0x0  }
0x95: {  	[sflag:s0] =	ssyncadd.s32 @!p0 s1  }
0x96: {  	[bflag:$0x3] =	sbarrier.arrive $0xFFFF  }
0x97: {  	_ =	shalt  }

</sc_bundles>
